<compile_context>
chip_gen: v7x
topology: tpu7x:2x2x1
jax: 0.10.2.dev20260603
libtpu: 0.0.44.dev20260713+nightly
codegen_flags: <defaults>
</compile_context>

<pallas_src>
import jax
import jax.numpy as jnp
from jax import lax
from jax.experimental import pallas as pl
from jax.experimental.pallas import tpu as pltpu
from jax.experimental.pallas import tpu_sc as plsc

B = 16384
D_FACE = 64
D_BODY = 74
D_ID = D_BODY - 10
NC, NS = 2, 16
NW = NC * NS
BPW = B // NW
CHUNK = 128
NCH = BPW // CHUNK
UNROLL = 8


def _sc_gather(face_idx, body_idx, face_tab, body_tab,
               out_face, out_body, out_shape,
               idx_f, idx_b, rows_f, rows_b, sem_f, sem_b):
    wid = lax.axis_index("s") * NC + lax.axis_index("c")
    base = wid * BPW
    pltpu.sync_copy(face_idx.at[pl.ds(wid * NCH, NCH)], idx_f)
    pltpu.sync_copy(body_idx.at[pl.ds(wid, 1)], idx_b)
    f_copies = [
        pltpu.async_copy(face_tab.at[idx_f.at[j]],
                         rows_f.at[pl.ds(j * CHUNK, CHUNK)], sem_f)
        for j in range(NCH)
    ]
    def issue(r0, _):
        vec = idx_b[0, pl.ds(r0 * 16, 16)]
        for u in range(16):
            pltpu.async_copy(body_tab.at[pl.ds(vec[u], 1)],
                             rows_b.at[pl.ds(r0 * 16 + u, 1)], sem_b)
        return ()
    lax.fori_loop(0, BPW // 16, issue, (), unroll=False)
    pltpu.make_async_copy(body_tab.at[pl.ds(0, BPW)], rows_b, sem_b).wait()
    for c in f_copies:
        c.wait()
    pltpu.sync_copy(rows_f, out_face.at[pl.ds(base, BPW)])
    pltpu.sync_copy(rows_b.at[pl.ds(0, BPW), pl.ds(0, D_ID)],
                    out_body.at[pl.ds(base, BPW)])
    pltpu.sync_copy(rows_b.at[pl.ds(0, BPW), pl.ds(D_ID, 10)],
                    out_shape.at[pl.ds(base, BPW)])


def kernel(rand_id_face, rand_id_body, id_face_sampler, id_shape_sampler_body):
    mesh = plsc.VectorSubcoreMesh(core_axis_name="c", subcore_axis_name="s")
    f = pl.kernel(
        _sc_gather,
        mesh=mesh,
        compiler_params=pltpu.CompilerParams(use_tc_tiling_on_sc=False),
        out_type=(
            jax.ShapeDtypeStruct((B, D_FACE), jnp.float32),
            jax.ShapeDtypeStruct((B, D_ID), jnp.float32),
            jax.ShapeDtypeStruct((B, 10), jnp.float32),
        ),
        scratch_types=[
            pltpu.VMEM((NCH, CHUNK), jnp.int32),
            pltpu.VMEM((1, BPW), jnp.int32),
            pltpu.VMEM((BPW, D_FACE), jnp.float32),
            pltpu.VMEM((BPW, D_BODY), jnp.float32),
            pltpu.SemaphoreType.DMA,
            pltpu.SemaphoreType.DMA,
        ],
    )
    return f(rand_id_face.reshape(NW * NCH, CHUNK),
             rand_id_body.reshape(NW, BPW),
             id_face_sampler, id_shape_sampler_body)

# --- scband reference (transcript-rebuilt; emitter-appended) ---
"""Pipeline reference for scband-idshape-sampler-76544907149688 (READ-ONLY COPY).

The authoritative reference and input builder live on the scoring server;
editing this copy changes nothing except your own understanding.
"""

import jax, jax.numpy as jnp
import numpy as np

DATASET_LEN_FACE = 1000000
D_FACE = 64
DATASET_LEN_BODY = 1000000
D_BODY = 74  # last 10 columns are the 'shape' params
BATCH = 16384


def setup_inputs(seed: int = 0) -> dict:
    key = jax.random.key(seed)
    k1, k2, k3, k4 = jax.random.split(key, 4)
    rand_id_face = jax.random.randint(k1, (BATCH,), 0, DATASET_LEN_FACE, dtype=jnp.int32)
    rand_id_body = jax.random.randint(k2, (BATCH,), 0, DATASET_LEN_BODY, dtype=jnp.int32)
    # Buffers registered in __init__ (sampler tables built from the training datasets)
    id_face_sampler = jax.random.normal(k3, (DATASET_LEN_FACE, D_FACE), dtype=jnp.float32)
    id_shape_sampler_body = jax.random.normal(k4, (DATASET_LEN_BODY, D_BODY), dtype=jnp.float32)
    return {
        "rand_id_face": rand_id_face,
        "rand_id_body": rand_id_body,
        "id_face_sampler": id_face_sampler,
        "id_shape_sampler_body": id_shape_sampler_body,
    }


def reference(rand_id_face, rand_id_body, id_face_sampler, id_shape_sampler_body):
    # forward_face: gather rows of the face id table
    id_face = jnp.take(id_face_sampler, rand_id_face, axis=0)
    # forward_body: gather rows of the body id+shape table, then split
    id_shape = jnp.take(id_shape_sampler_body, rand_id_body, axis=0)
    id_body = id_shape[:, :-10]
    shape_body = id_shape[:, -10:]
    return (id_face, id_body, shape_body)

if __name__ == "__main__":
    import jax
    _d = setup_inputs()
    print(jax.jit(kernel)(*tuple(_d.values())))

</pallas_src>

<mosaic_0001>
#map = affine_map<(d0, d1) -> (0, 0)>
module attributes {stable_mosaic.version = 14 : i64} {
  func.func @_sc_gather(%arg0: i32, %arg1: i32, %arg2: memref<128x128xi32, #tpu.memory_space<hbm>>, %arg3: memref<32x512xi32, #tpu.memory_space<hbm>>, %arg4: memref<1000000x64xf32, #tpu.memory_space<hbm>>, %arg5: memref<1000000x74xf32, #tpu.memory_space<hbm>>, %arg6: memref<16384x64xf32, #tpu.memory_space<hbm>>, %arg7: memref<16384x64xf32, #tpu.memory_space<hbm>>, %arg8: memref<16384x10xf32, #tpu.memory_space<hbm>>, %arg9: memref<4x128xi32, #tpu.memory_space<vmem>>, %arg10: memref<1x512xi32, #tpu.memory_space<vmem>>, %arg11: memref<512x64xf32, #tpu.memory_space<vmem>>, %arg12: memref<512x74xf32, #tpu.memory_space<vmem>>, %arg13: memref<!tpu.dma_semaphore, #tpu.memory_space<semaphore_mem>>, %arg14: memref<!tpu.dma_semaphore, #tpu.memory_space<semaphore_mem>>) attributes {dimension_semantics = [#tpu.dimension_semantics<core_parallel>, #tpu.dimension_semantics<subcore_parallel>], iteration_bounds = array<i64: 2, 16>, scalar_prefetch = 0 : i64, scratch_operands = 6 : i64, tpu.core_type = #tpu.core_type<sc_vector_subcore>, window_params = [{transform_indices = #map}, {transform_indices = #map}, {transform_indices = #map}, {transform_indices = #map}, {transform_indices = #map}, {transform_indices = #map}, {transform_indices = #map}]} {
    %mul3A = arith.constant 2 : i32
    %mul3A_0 = arith.muli %arg1, %mul3A : i32
    %add3A = arith.addi %mul3A_0, %arg0 : i32
    %mul3A_1 = arith.constant 512 : i32
    %mul3A_2 = arith.muli %add3A, %mul3A_1 : i32
    %mul3A_3 = arith.constant 4 : i32
    %mul3A_4 = arith.muli %add3A, %mul3A_3 : i32
    "tpu.region"() ({
      %run_scoped3A = tpu.sem_alloc : memref<!tpu.dma_semaphore, #tpu.memory_space<semaphore_mem>>
      %dma_start3A_93 = arith.constant 0 : i32
      %dma_start3A_94 = tpu.memref_slice %arg2[%mul3A_4, %dma_start3A_93] : memref<128x128xi32, #tpu.memory_space<hbm>> -> memref<4x128xi32, #tpu.memory_space<hbm>>
      %dma_start3A_95 = arith.constant 0 : i32
      %dma_start3A_96 = tpu.memref_slice %arg2[%mul3A_4, %dma_start3A_95] : memref<128x128xi32, #tpu.memory_space<hbm>> -> memref<4x128xi32, #tpu.memory_space<hbm>>
      tpu.enqueue_dma source(%dma_start3A_96 : memref<4x128xi32, #tpu.memory_space<hbm>>) target(%arg9 : memref<4x128xi32, #tpu.memory_space<vmem>>) target_semaphore(%run_scoped3A : memref<!tpu.dma_semaphore, #tpu.memory_space<semaphore_mem>>)
      %dma_wait3A_97 = arith.constant 0 : i32
      %dma_wait3A_98 = tpu.memref_slice %arg2[%mul3A_4, %dma_wait3A_97] : memref<128x128xi32, #tpu.memory_space<hbm>> -> memref<4x128xi32, #tpu.memory_space<hbm>>
      %dma_wait3A_99 = arith.constant 0 : i32
      %dma_wait3A_100 = tpu.memref_slice %arg2[%mul3A_4, %dma_wait3A_99] : memref<128x128xi32, #tpu.memory_space<hbm>> -> memref<4x128xi32, #tpu.memory_space<hbm>>
      tpu.wait_dma2 semaphore(%run_scoped3A : memref<!tpu.dma_semaphore, #tpu.memory_space<semaphore_mem>>) src(%dma_wait3A_100 : memref<4x128xi32, #tpu.memory_space<hbm>>) dst(%arg9 : memref<4x128xi32, #tpu.memory_space<vmem>>)
      tpu.yield
    }) : () -> ()
    "tpu.region"() ({
      %run_scoped3A = tpu.sem_alloc : memref<!tpu.dma_semaphore, #tpu.memory_space<semaphore_mem>>
      %dma_start3A_93 = arith.constant 0 : i32
      %dma_start3A_94 = tpu.memref_slice %arg3[%add3A, %dma_start3A_93] : memref<32x512xi32, #tpu.memory_space<hbm>> -> memref<1x512xi32, #tpu.memory_space<hbm>>
      %dma_start3A_95 = arith.constant 0 : i32
      %dma_start3A_96 = tpu.memref_slice %arg3[%add3A, %dma_start3A_95] : memref<32x512xi32, #tpu.memory_space<hbm>> -> memref<1x512xi32, #tpu.memory_space<hbm>>
      tpu.enqueue_dma source(%dma_start3A_96 : memref<1x512xi32, #tpu.memory_space<hbm>>) target(%arg10 : memref<1x512xi32, #tpu.memory_space<vmem>>) target_semaphore(%run_scoped3A : memref<!tpu.dma_semaphore, #tpu.memory_space<semaphore_mem>>)
      %dma_wait3A_97 = arith.constant 0 : i32
      %dma_wait3A_98 = tpu.memref_slice %arg3[%add3A, %dma_wait3A_97] : memref<32x512xi32, #tpu.memory_space<hbm>> -> memref<1x512xi32, #tpu.memory_space<hbm>>
      %dma_wait3A_99 = arith.constant 0 : i32
      %dma_wait3A_100 = tpu.memref_slice %arg3[%add3A, %dma_wait3A_99] : memref<32x512xi32, #tpu.memory_space<hbm>> -> memref<1x512xi32, #tpu.memory_space<hbm>>
      tpu.wait_dma2 semaphore(%run_scoped3A : memref<!tpu.dma_semaphore, #tpu.memory_space<semaphore_mem>>) src(%dma_wait3A_100 : memref<1x512xi32, #tpu.memory_space<hbm>>) dst(%arg10 : memref<1x512xi32, #tpu.memory_space<vmem>>)
      tpu.yield
    }) : () -> ()
    %dma_start3A = arith.constant 0 : i32
    %dma_start3A_5 = arith.constant 0 : i32
    %dma_start3A_6 = arith.constant 0 : i32
    %dma_start3A_7 = tpu.memref_slice %arg11[%dma_start3A_5, %dma_start3A_6] : memref<512x64xf32, #tpu.memory_space<vmem>> -> memref<128x64xf32, #tpu.memory_space<vmem>>
    %dma_start3A_8 = arith.constant 0 : i32
    %dma_start3A_9 = tpu.memref_slice %arg9[%dma_start3A, %dma_start3A_8] : memref<4x128xi32, #tpu.memory_space<vmem>> -> memref<1x128xi32, #tpu.memory_space<vmem>>
    %dma_start3A_10 = tpu.memref_squeeze %dma_start3A_9 : memref<1x128xi32, #tpu.memory_space<vmem>> -> memref<128xi32, #tpu.memory_space<vmem>>
    %dma_start3A_11 = arith.constant 0 : i32
    %dma_start3A_12 = arith.constant 0 : i32
    %dma_start3A_13 = tpu.memref_slice %arg4[%dma_start3A_11, %dma_start3A_12] : memref<1000000x64xf32, #tpu.memory_space<hbm>> -> memref<1000000x64xf32, #tpu.memory_space<hbm>>
    tpu.enqueue_indirect_dma source(%dma_start3A_13 : memref<1000000x64xf32, #tpu.memory_space<hbm>>) target(%dma_start3A_7 : memref<128x64xf32, #tpu.memory_space<vmem>>) offsets(%dma_start3A_10 : memref<128xi32, #tpu.memory_space<vmem>>) semaphore(%arg13 : memref<!tpu.dma_semaphore, #tpu.memory_space<semaphore_mem>>)
    %dma_start3A_14 = arith.constant 1 : i32
    %dma_start3A_15 = arith.constant 128 : i32
    %dma_start3A_16 = arith.constant 0 : i32
    %dma_start3A_17 = tpu.memref_slice %arg11[%dma_start3A_15, %dma_start3A_16] : memref<512x64xf32, #tpu.memory_space<vmem>> -> memref<128x64xf32, #tpu.memory_space<vmem>>
    %dma_start3A_18 = arith.constant 0 : i32
    %dma_start3A_19 = tpu.memref_slice %arg9[%dma_start3A_14, %dma_start3A_18] : memref<4x128xi32, #tpu.memory_space<vmem>> -> memref<1x128xi32, #tpu.memory_space<vmem>>
    %dma_start3A_20 = tpu.memref_squeeze %dma_start3A_19 : memref<1x128xi32, #tpu.memory_space<vmem>> -> memref<128xi32, #tpu.memory_space<vmem>>
    %dma_start3A_21 = arith.constant 0 : i32
    %dma_start3A_22 = arith.constant 0 : i32
    %dma_start3A_23 = tpu.memref_slice %arg4[%dma_start3A_21, %dma_start3A_22] : memref<1000000x64xf32, #tpu.memory_space<hbm>> -> memref<1000000x64xf32, #tpu.memory_space<hbm>>
    tpu.enqueue_indirect_dma source(%dma_start3A_23 : memref<1000000x64xf32, #tpu.memory_space<hbm>>) target(%dma_start3A_17 : memref<128x64xf32, #tpu.memory_space<vmem>>) offsets(%dma_start3A_20 : memref<128xi32, #tpu.memory_space<vmem>>) semaphore(%arg13 : memref<!tpu.dma_semaphore, #tpu.memory_space<semaphore_mem>>)
    %dma_start3A_24 = arith.constant 2 : i32
    %dma_start3A_25 = arith.constant 256 : i32
    %dma_start3A_26 = arith.constant 0 : i32
    %dma_start3A_27 = tpu.memref_slice %arg11[%dma_start3A_25, %dma_start3A_26] : memref<512x64xf32, #tpu.memory_space<vmem>> -> memref<128x64xf32, #tpu.memory_space<vmem>>
    %dma_start3A_28 = arith.constant 0 : i32
    %dma_start3A_29 = tpu.memref_slice %arg9[%dma_start3A_24, %dma_start3A_28] : memref<4x128xi32, #tpu.memory_space<vmem>> -> memref<1x128xi32, #tpu.memory_space<vmem>>
    %dma_start3A_30 = tpu.memref_squeeze %dma_start3A_29 : memref<1x128xi32, #tpu.memory_space<vmem>> -> memref<128xi32, #tpu.memory_space<vmem>>
    %dma_start3A_31 = arith.constant 0 : i32
    %dma_start3A_32 = arith.constant 0 : i32
    %dma_start3A_33 = tpu.memref_slice %arg4[%dma_start3A_31, %dma_start3A_32] : memref<1000000x64xf32, #tpu.memory_space<hbm>> -> memref<1000000x64xf32, #tpu.memory_space<hbm>>
    tpu.enqueue_indirect_dma source(%dma_start3A_33 : memref<1000000x64xf32, #tpu.memory_space<hbm>>) target(%dma_start3A_27 : memref<128x64xf32, #tpu.memory_space<vmem>>) offsets(%dma_start3A_30 : memref<128xi32, #tpu.memory_space<vmem>>) semaphore(%arg13 : memref<!tpu.dma_semaphore, #tpu.memory_space<semaphore_mem>>)
    %dma_start3A_34 = arith.constant 3 : i32
    %dma_start3A_35 = arith.constant 384 : i32
    %dma_start3A_36 = arith.constant 0 : i32
    %dma_start3A_37 = tpu.memref_slice %arg11[%dma_start3A_35, %dma_start3A_36] : memref<512x64xf32, #tpu.memory_space<vmem>> -> memref<128x64xf32, #tpu.memory_space<vmem>>
    %dma_start3A_38 = arith.constant 0 : i32
    %dma_start3A_39 = tpu.memref_slice %arg9[%dma_start3A_34, %dma_start3A_38] : memref<4x128xi32, #tpu.memory_space<vmem>> -> memref<1x128xi32, #tpu.memory_space<vmem>>
    %dma_start3A_40 = tpu.memref_squeeze %dma_start3A_39 : memref<1x128xi32, #tpu.memory_space<vmem>> -> memref<128xi32, #tpu.memory_space<vmem>>
    %dma_start3A_41 = arith.constant 0 : i32
    %dma_start3A_42 = arith.constant 0 : i32
    %dma_start3A_43 = tpu.memref_slice %arg4[%dma_start3A_41, %dma_start3A_42] : memref<1000000x64xf32, #tpu.memory_space<hbm>> -> memref<1000000x64xf32, #tpu.memory_space<hbm>>
    tpu.enqueue_indirect_dma source(%dma_start3A_43 : memref<1000000x64xf32, #tpu.memory_space<hbm>>) target(%dma_start3A_37 : memref<128x64xf32, #tpu.memory_space<vmem>>) offsets(%dma_start3A_40 : memref<128xi32, #tpu.memory_space<vmem>>) semaphore(%arg13 : memref<!tpu.dma_semaphore, #tpu.memory_space<semaphore_mem>>)
    %scan3A = arith.constant 0 : i32
    %scan3A_44 = arith.constant 32 : i32
    %scan3A_45 = arith.addi %scan3A, %scan3A_44 : i32
    %scan3A_46 = arith.constant 1 : i32
    scf.for %scan3A_93 = %scan3A to %scan3A_45 step %scan3A_46  : i32 {
      %mul3A_94 = arith.constant 16 : i32
      %mul3A_95 = arith.muli %scan3A_93, %mul3A_94 : i32
      %get3A = arith.constant 0 : i32
      %get3A_96 = arith.index_cast %get3A : i32 to index
      %get3A_97 = arith.index_cast %mul3A_95 : i32 to index
      %get3A_98 = tpu.vector_load %arg10[%get3A_96, %get3A_97] {strides = array<i32>} : memref<1x512xi32, #tpu.memory_space<vmem>>, vector<1x16xi32>,
      %get3A_99 = vector.shape_cast %get3A_98 : vector<1x16xi32> to vector<16xi32>
      %slice3A = vector.extract_strided_slice %get3A_99 {offsets = [0], sizes = [1], strides = [1]} : vector<16xi32> to vector<1xi32>
      %squeeze3A = vector.extract %slice3A[0] : i32 from vector<1xi32>
      %mul3A_100 = arith.constant 16 : i32
      %mul3A_101 = arith.muli %scan3A_93, %mul3A_100 : i32
      %add3A_102 = arith.constant 0 : i32
      %add3A_103 = arith.addi %mul3A_101, %add3A_102 : i32
      %dma_start3A_104 = arith.constant 0 : i32
      %dma_start3A_105 = tpu.memref_slice %arg12[%add3A_103, %dma_start3A_104] : memref<512x74xf32, #tpu.memory_space<vmem>> -> memref<1x74xf32, #tpu.memory_space<vmem>>
      %dma_start3A_106 = arith.constant 0 : i32
      %dma_start3A_107 = tpu.memref_slice %arg5[%squeeze3A, %dma_start3A_106] : memref<1000000x74xf32, #tpu.memory_space<hbm>> -> memref<1x74xf32, #tpu.memory_space<hbm>>
      %dma_start3A_108 = arith.constant 0 : i32
      %dma_start3A_109 = tpu.memref_slice %arg12[%add3A_103, %dma_start3A_108] : memref<512x74xf32, #tpu.memory_space<vmem>> -> memref<1x74xf32, #tpu.memory_space<vmem>>
      %dma_start3A_110 = arith.constant 0 : i32
      %dma_start3A_111 = tpu.memref_slice %arg5[%squeeze3A, %dma_start3A_110] : memref<1000000x74xf32, #tpu.memory_space<hbm>> -> memref<1x74xf32, #tpu.memory_space<hbm>>
      tpu.enqueue_dma source(%dma_start3A_111 : memref<1x74xf32, #tpu.memory_space<hbm>>) target(%dma_start3A_109 : memref<1x74xf32, #tpu.memory_space<vmem>>) target_semaphore(%arg14 : memref<!tpu.dma_semaphore, #tpu.memory_space<semaphore_mem>>)
      %slice3A_112 = vector.extract_strided_slice %get3A_99 {offsets = [1], sizes = [1], strides = [1]} : vector<16xi32> to vector<1xi32>
      %squeeze3A_113 = vector.extract %slice3A_112[0] : i32 from vector<1xi32>
      %mul3A_114 = arith.constant 16 : i32
      %mul3A_115 = arith.muli %scan3A_93, %mul3A_114 : i32
      %add3A_116 = arith.constant 1 : i32
      %add3A_117 = arith.addi %mul3A_115, %add3A_116 : i32
      %dma_start3A_118 = arith.constant 0 : i32
      %dma_start3A_119 = tpu.memref_slice %arg12[%add3A_117, %dma_start3A_118] : memref<512x74xf32, #tpu.memory_space<vmem>> -> memref<1x74xf32, #tpu.memory_space<vmem>>
      %dma_start3A_120 = arith.constant 0 : i32
      %dma_start3A_121 = tpu.memref_slice %arg5[%squeeze3A_113, %dma_start3A_120] : memref<1000000x74xf32, #tpu.memory_space<hbm>> -> memref<1x74xf32, #tpu.memory_space<hbm>>
      %dma_start3A_122 = arith.constant 0 : i32
      %dma_start3A_123 = tpu.memref_slice %arg12[%add3A_117, %dma_start3A_122] : memref<512x74xf32, #tpu.memory_space<vmem>> -> memref<1x74xf32, #tpu.memory_space<vmem>>
      %dma_start3A_124 = arith.constant 0 : i32
      %dma_start3A_125 = tpu.memref_slice %arg5[%squeeze3A_113, %dma_start3A_124] : memref<1000000x74xf32, #tpu.memory_space<hbm>> -> memref<1x74xf32, #tpu.memory_space<hbm>>
      tpu.enqueue_dma source(%dma_start3A_125 : memref<1x74xf32, #tpu.memory_space<hbm>>) target(%dma_start3A_123 : memref<1x74xf32, #tpu.memory_space<vmem>>) target_semaphore(%arg14 : memref<!tpu.dma_semaphore, #tpu.memory_space<semaphore_mem>>)
      %slice3A_126 = vector.extract_strided_slice %get3A_99 {offsets = [2], sizes = [1], strides = [1]} : vector<16xi32> to vector<1xi32>
      %squeeze3A_127 = vector.extract %slice3A_126[0] : i32 from vector<1xi32>
      %mul3A_128 = arith.constant 16 : i32
      %mul3A_129 = arith.muli %scan3A_93, %mul3A_128 : i32
      %add3A_130 = arith.constant 2 : i32
      %add3A_131 = arith.addi %mul3A_129, %add3A_130 : i32
      %dma_start3A_132 = arith.constant 0 : i32
      %dma_start3A_133 = tpu.memref_slice %arg12[%add3A_131, %dma_start3A_132] : memref<512x74xf32, #tpu.memory_space<vmem>> -> memref<1x74xf32, #tpu.memory_space<vmem>>
      %dma_start3A_134 = arith.constant 0 : i32
      %dma_start3A_135 = tpu.memref_slice %arg5[%squeeze3A_127, %dma_start3A_134] : memref<1000000x74xf32, #tpu.memory_space<hbm>> -> memref<1x74xf32, #tpu.memory_space<hbm>>
      %dma_start3A_136 = arith.constant 0 : i32
      %dma_start3A_137 = tpu.memref_slice %arg12[%add3A_131, %dma_start3A_136] : memref<512x74xf32, #tpu.memory_space<vmem>> -> memref<1x74xf32, #tpu.memory_space<vmem>>
      %dma_start3A_138 = arith.constant 0 : i32
      %dma_start3A_139 = tpu.memref_slice %arg5[%squeeze3A_127, %dma_start3A_138] : memref<1000000x74xf32, #tpu.memory_space<hbm>> -> memref<1x74xf32, #tpu.memory_space<hbm>>
      tpu.enqueue_dma source(%dma_start3A_139 : memref<1x74xf32, #tpu.memory_space<hbm>>) target(%dma_start3A_137 : memref<1x74xf32, #tpu.memory_space<vmem>>) target_semaphore(%arg14 : memref<!tpu.dma_semaphore, #tpu.memory_space<semaphore_mem>>)
      %slice3A_140 = vector.extract_strided_slice %get3A_99 {offsets = [3], sizes = [1], strides = [1]} : vector<16xi32> to vector<1xi32>
      %squeeze3A_141 = vector.extract %slice3A_140[0] : i32 from vector<1xi32>
      %mul3A_142 = arith.constant 16 : i32
      %mul3A_143 = arith.muli %scan3A_93, %mul3A_142 : i32
      %add3A_144 = arith.constant 3 : i32
      %add3A_145 = arith.addi %mul3A_143, %add3A_144 : i32
      %dma_start3A_146 = arith.constant 0 : i32
      %dma_start3A_147 = tpu.memref_slice %arg12[%add3A_145, %dma_start3A_146] : memref<512x74xf32, #tpu.memory_space<vmem>> -> memref<1x74xf32, #tpu.memory_space<vmem>>
      %dma_start3A_148 = arith.constant 0 : i32
      %dma_start3A_149 = tpu.memref_slice %arg5[%squeeze3A_141, %dma_start3A_148] : memref<1000000x74xf32, #tpu.memory_space<hbm>> -> memref<1x74xf32, #tpu.memory_space<hbm>>
      %dma_start3A_150 = arith.constant 0 : i32
      %dma_start3A_151 = tpu.memref_slice %arg12[%add3A_145, %dma_start3A_150] : memref<512x74xf32, #tpu.memory_space<vmem>> -> memref<1x74xf32, #tpu.memory_space<vmem>>
      %dma_start3A_152 = arith.constant 0 : i32
      %dma_start3A_153 = tpu.memref_slice %arg5[%squeeze3A_141, %dma_start3A_152] : memref<1000000x74xf32, #tpu.memory_space<hbm>> -> memref<1x74xf32, #tpu.memory_space<hbm>>
      tpu.enqueue_dma source(%dma_start3A_153 : memref<1x74xf32, #tpu.memory_space<hbm>>) target(%dma_start3A_151 : memref<1x74xf32, #tpu.memory_space<vmem>>) target_semaphore(%arg14 : memref<!tpu.dma_semaphore, #tpu.memory_space<semaphore_mem>>)
      %slice3A_154 = vector.extract_strided_slice %get3A_99 {offsets = [4], sizes = [1], strides = [1]} : vector<16xi32> to vector<1xi32>
      %squeeze3A_155 = vector.extract %slice3A_154[0] : i32 from vector<1xi32>
      %mul3A_156 = arith.constant 16 : i32
      %mul3A_157 = arith.muli %scan3A_93, %mul3A_156 : i32
      %add3A_158 = arith.constant 4 : i32
      %add3A_159 = arith.addi %mul3A_157, %add3A_158 : i32
      %dma_start3A_160 = arith.constant 0 : i32
      %dma_start3A_161 = tpu.memref_slice %arg12[%add3A_159, %dma_start3A_160] : memref<512x74xf32, #tpu.memory_space<vmem>> -> memref<1x74xf32, #tpu.memory_space<vmem>>
      %dma_start3A_162 = arith.constant 0 : i32
      %dma_start3A_163 = tpu.memref_slice %arg5[%squeeze3A_155, %dma_start3A_162] : memref<1000000x74xf32, #tpu.memory_space<hbm>> -> memref<1x74xf32, #tpu.memory_space<hbm>>
      %dma_start3A_164 = arith.constant 0 : i32
      %dma_start3A_165 = tpu.memref_slice %arg12[%add3A_159, %dma_start3A_164] : memref<512x74xf32, #tpu.memory_space<vmem>> -> memref<1x74xf32, #tpu.memory_space<vmem>>
      %dma_start3A_166 = arith.constant 0 : i32
      %dma_start3A_167 = tpu.memref_slice %arg5[%squeeze3A_155, %dma_start3A_166] : memref<1000000x74xf32, #tpu.memory_space<hbm>> -> memref<1x74xf32, #tpu.memory_space<hbm>>
      tpu.enqueue_dma source(%dma_start3A_167 : memref<1x74xf32, #tpu.memory_space<hbm>>) target(%dma_start3A_165 : memref<1x74xf32, #tpu.memory_space<vmem>>) target_semaphore(%arg14 : memref<!tpu.dma_semaphore, #tpu.memory_space<semaphore_mem>>)
      %slice3A_168 = vector.extract_strided_slice %get3A_99 {offsets = [5], sizes = [1], strides = [1]} : vector<16xi32> to vector<1xi32>
      %squeeze3A_169 = vector.extract %slice3A_168[0] : i32 from vector<1xi32>
      %mul3A_170 = arith.constant 16 : i32
      %mul3A_171 = arith.muli %scan3A_93, %mul3A_170 : i32
      %add3A_172 = arith.constant 5 : i32
      %add3A_173 = arith.addi %mul3A_171, %add3A_172 : i32
      %dma_start3A_174 = arith.constant 0 : i32
      %dma_start3A_175 = tpu.memref_slice %arg12[%add3A_173, %dma_start3A_174] : memref<512x74xf32, #tpu.memory_space<vmem>> -> memref<1x74xf32, #tpu.memory_space<vmem>>
      %dma_start3A_176 = arith.constant 0 : i32
      %dma_start3A_177 = tpu.memref_slice %arg5[%squeeze3A_169, %dma_start3A_176] : memref<1000000x74xf32, #tpu.memory_space<hbm>> -> memref<1x74xf32, #tpu.memory_space<hbm>>
      %dma_start3A_178 = arith.constant 0 : i32
      %dma_start3A_179 = tpu.memref_slice %arg12[%add3A_173, %dma_start3A_178] : memref<512x74xf32, #tpu.memory_space<vmem>> -> memref<1x74xf32, #tpu.memory_space<vmem>>
      %dma_start3A_180 = arith.constant 0 : i32
      %dma_start3A_181 = tpu.memref_slice %arg5[%squeeze3A_169, %dma_start3A_180] : memref<1000000x74xf32, #tpu.memory_space<hbm>> -> memref<1x74xf32, #tpu.memory_space<hbm>>
      tpu.enqueue_dma source(%dma_start3A_181 : memref<1x74xf32, #tpu.memory_space<hbm>>) target(%dma_start3A_179 : memref<1x74xf32, #tpu.memory_space<vmem>>) target_semaphore(%arg14 : memref<!tpu.dma_semaphore, #tpu.memory_space<semaphore_mem>>)
      %slice3A_182 = vector.extract_strided_slice %get3A_99 {offsets = [6], sizes = [1], strides = [1]} : vector<16xi32> to vector<1xi32>
      %squeeze3A_183 = vector.extract %slice3A_182[0] : i32 from vector<1xi32>
      %mul3A_184 = arith.constant 16 : i32
      %mul3A_185 = arith.muli %scan3A_93, %mul3A_184 : i32
      %add3A_186 = arith.constant 6 : i32
      %add3A_187 = arith.addi %mul3A_185, %add3A_186 : i32
      %dma_start3A_188 = arith.constant 0 : i32
      %dma_start3A_189 = tpu.memref_slice %arg12[%add3A_187, %dma_start3A_188] : memref<512x74xf32, #tpu.memory_space<vmem>> -> memref<1x74xf32, #tpu.memory_space<vmem>>
      %dma_start3A_190 = arith.constant 0 : i32
      %dma_start3A_191 = tpu.memref_slice %arg5[%squeeze3A_183, %dma_start3A_190] : memref<1000000x74xf32, #tpu.memory_space<hbm>> -> memref<1x74xf32, #tpu.memory_space<hbm>>
      %dma_start3A_192 = arith.constant 0 : i32
      %dma_start3A_193 = tpu.memref_slice %arg12[%add3A_187, %dma_start3A_192] : memref<512x74xf32, #tpu.memory_space<vmem>> -> memref<1x74xf32, #tpu.memory_space<vmem>>
      %dma_start3A_194 = arith.constant 0 : i32
      %dma_start3A_195 = tpu.memref_slice %arg5[%squeeze3A_183, %dma_start3A_194] : memref<1000000x74xf32, #tpu.memory_space<hbm>> -> memref<1x74xf32, #tpu.memory_space<hbm>>
      tpu.enqueue_dma source(%dma_start3A_195 : memref<1x74xf32, #tpu.memory_space<hbm>>) target(%dma_start3A_193 : memref<1x74xf32, #tpu.memory_space<vmem>>) target_semaphore(%arg14 : memref<!tpu.dma_semaphore, #tpu.memory_space<semaphore_mem>>)
      %slice3A_196 = vector.extract_strided_slice %get3A_99 {offsets = [7], sizes = [1], strides = [1]} : vector<16xi32> to vector<1xi32>
      %squeeze3A_197 = vector.extract %slice3A_196[0] : i32 from vector<1xi32>
      %mul3A_198 = arith.constant 16 : i32
      %mul3A_199 = arith.muli %scan3A_93, %mul3A_198 : i32
      %add3A_200 = arith.constant 7 : i32
      %add3A_201 = arith.addi %mul3A_199, %add3A_200 : i32
      %dma_start3A_202 = arith.constant 0 : i32
      %dma_start3A_203 = tpu.memref_slice %arg12[%add3A_201, %dma_start3A_202] : memref<512x74xf32, #tpu.memory_space<vmem>> -> memref<1x74xf32, #tpu.memory_space<vmem>>
      %dma_start3A_204 = arith.constant 0 : i32
      %dma_start3A_205 = tpu.memref_slice %arg5[%squeeze3A_197, %dma_start3A_204] : memref<1000000x74xf32, #tpu.memory_space<hbm>> -> memref<1x74xf32, #tpu.memory_space<hbm>>
      %dma_start3A_206 = arith.constant 0 : i32
      %dma_start3A_207 = tpu.memref_slice %arg12[%add3A_201, %dma_start3A_206] : memref<512x74xf32, #tpu.memory_space<vmem>> -> memref<1x74xf32, #tpu.memory_space<vmem>>
      %dma_start3A_208 = arith.constant 0 : i32
      %dma_start3A_209 = tpu.memref_slice %arg5[%squeeze3A_197, %dma_start3A_208] : memref<1000000x74xf32, #tpu.memory_space<hbm>> -> memref<1x74xf32, #tpu.memory_space<hbm>>
      tpu.enqueue_dma source(%dma_start3A_209 : memref<1x74xf32, #tpu.memory_space<hbm>>) target(%dma_start3A_207 : memref<1x74xf32, #tpu.memory_space<vmem>>) target_semaphore(%arg14 : memref<!tpu.dma_semaphore, #tpu.memory_space<semaphore_mem>>)
      %slice3A_210 = vector.extract_strided_slice %get3A_99 {offsets = [8], sizes = [1], strides = [1]} : vector<16xi32> to vector<1xi32>
      %squeeze3A_211 = vector.extract %slice3A_210[0] : i32 from vector<1xi32>
      %mul3A_212 = arith.constant 16 : i32
      %mul3A_213 = arith.muli %scan3A_93, %mul3A_212 : i32
      %add3A_214 = arith.constant 8 : i32
      %add3A_215 = arith.addi %mul3A_213, %add3A_214 : i32
      %dma_start3A_216 = arith.constant 0 : i32
      %dma_start3A_217 = tpu.memref_slice %arg12[%add3A_215, %dma_start3A_216] : memref<512x74xf32, #tpu.memory_space<vmem>> -> memref<1x74xf32, #tpu.memory_space<vmem>>
      %dma_start3A_218 = arith.constant 0 : i32
      %dma_start3A_219 = tpu.memref_slice %arg5[%squeeze3A_211, %dma_start3A_218] : memref<1000000x74xf32, #tpu.memory_space<hbm>> -> memref<1x74xf32, #tpu.memory_space<hbm>>
      %dma_start3A_220 = arith.constant 0 : i32
      %dma_start3A_221 = tpu.memref_slice %arg12[%add3A_215, %dma_start3A_220] : memref<512x74xf32, #tpu.memory_space<vmem>> -> memref<1x74xf32, #tpu.memory_space<vmem>>
      %dma_start3A_222 = arith.constant 0 : i32
      %dma_start3A_223 = tpu.memref_slice %arg5[%squeeze3A_211, %dma_start3A_222] : memref<1000000x74xf32, #tpu.memory_space<hbm>> -> memref<1x74xf32, #tpu.memory_space<hbm>>
      tpu.enqueue_dma source(%dma_start3A_223 : memref<1x74xf32, #tpu.memory_space<hbm>>) target(%dma_start3A_221 : memref<1x74xf32, #tpu.memory_space<vmem>>) target_semaphore(%arg14 : memref<!tpu.dma_semaphore, #tpu.memory_space<semaphore_mem>>)
      %slice3A_224 = vector.extract_strided_slice %get3A_99 {offsets = [9], sizes = [1], strides = [1]} : vector<16xi32> to vector<1xi32>
      %squeeze3A_225 = vector.extract %slice3A_224[0] : i32 from vector<1xi32>
      %mul3A_226 = arith.constant 16 : i32
      %mul3A_227 = arith.muli %scan3A_93, %mul3A_226 : i32
      %add3A_228 = arith.constant 9 : i32
      %add3A_229 = arith.addi %mul3A_227, %add3A_228 : i32
      %dma_start3A_230 = arith.constant 0 : i32
      %dma_start3A_231 = tpu.memref_slice %arg12[%add3A_229, %dma_start3A_230] : memref<512x74xf32, #tpu.memory_space<vmem>> -> memref<1x74xf32, #tpu.memory_space<vmem>>
      %dma_start3A_232 = arith.constant 0 : i32
      %dma_start3A_233 = tpu.memref_slice %arg5[%squeeze3A_225, %dma_start3A_232] : memref<1000000x74xf32, #tpu.memory_space<hbm>> -> memref<1x74xf32, #tpu.memory_space<hbm>>
      %dma_start3A_234 = arith.constant 0 : i32
      %dma_start3A_235 = tpu.memref_slice %arg12[%add3A_229, %dma_start3A_234] : memref<512x74xf32, #tpu.memory_space<vmem>> -> memref<1x74xf32, #tpu.memory_space<vmem>>
      %dma_start3A_236 = arith.constant 0 : i32
      %dma_start3A_237 = tpu.memref_slice %arg5[%squeeze3A_225, %dma_start3A_236] : memref<1000000x74xf32, #tpu.memory_space<hbm>> -> memref<1x74xf32, #tpu.memory_space<hbm>>
      tpu.enqueue_dma source(%dma_start3A_237 : memref<1x74xf32, #tpu.memory_space<hbm>>) target(%dma_start3A_235 : memref<1x74xf32, #tpu.memory_space<vmem>>) target_semaphore(%arg14 : memref<!tpu.dma_semaphore, #tpu.memory_space<semaphore_mem>>)
      %slice3A_238 = vector.extract_strided_slice %get3A_99 {offsets = [10], sizes = [1], strides = [1]} : vector<16xi32> to vector<1xi32>
      %squeeze3A_239 = vector.extract %slice3A_238[0] : i32 from vector<1xi32>
      %mul3A_240 = arith.constant 16 : i32
      %mul3A_241 = arith.muli %scan3A_93, %mul3A_240 : i32
      %add3A_242 = arith.constant 10 : i32
      %add3A_243 = arith.addi %mul3A_241, %add3A_242 : i32
      %dma_start3A_244 = arith.constant 0 : i32
      %dma_start3A_245 = tpu.memref_slice %arg12[%add3A_243, %dma_start3A_244] : memref<512x74xf32, #tpu.memory_space<vmem>> -> memref<1x74xf32, #tpu.memory_space<vmem>>
      %dma_start3A_246 = arith.constant 0 : i32
      %dma_start3A_247 = tpu.memref_slice %arg5[%squeeze3A_239, %dma_start3A_246] : memref<1000000x74xf32, #tpu.memory_space<hbm>> -> memref<1x74xf32, #tpu.memory_space<hbm>>
      %dma_start3A_248 = arith.constant 0 : i32
      %dma_start3A_249 = tpu.memref_slice %arg12[%add3A_243, %dma_start3A_248] : memref<512x74xf32, #tpu.memory_space<vmem>> -> memref<1x74xf32, #tpu.memory_space<vmem>>
      %dma_start3A_250 = arith.constant 0 : i32
      %dma_start3A_251 = tpu.memref_slice %arg5[%squeeze3A_239, %dma_start3A_250] : memref<1000000x74xf32, #tpu.memory_space<hbm>> -> memref<1x74xf32, #tpu.memory_space<hbm>>
      tpu.enqueue_dma source(%dma_start3A_251 : memref<1x74xf32, #tpu.memory_space<hbm>>) target(%dma_start3A_249 : memref<1x74xf32, #tpu.memory_space<vmem>>) target_semaphore(%arg14 : memref<!tpu.dma_semaphore, #tpu.memory_space<semaphore_mem>>)
      %slice3A_252 = vector.extract_strided_slice %get3A_99 {offsets = [11], sizes = [1], strides = [1]} : vector<16xi32> to vector<1xi32>
      %squeeze3A_253 = vector.extract %slice3A_252[0] : i32 from vector<1xi32>
      %mul3A_254 = arith.constant 16 : i32
      %mul3A_255 = arith.muli %scan3A_93, %mul3A_254 : i32
      %add3A_256 = arith.constant 11 : i32
      %add3A_257 = arith.addi %mul3A_255, %add3A_256 : i32
      %dma_start3A_258 = arith.constant 0 : i32
      %dma_start3A_259 = tpu.memref_slice %arg12[%add3A_257, %dma_start3A_258] : memref<512x74xf32, #tpu.memory_space<vmem>> -> memref<1x74xf32, #tpu.memory_space<vmem>>
      %dma_start3A_260 = arith.constant 0 : i32
      %dma_start3A_261 = tpu.memref_slice %arg5[%squeeze3A_253, %dma_start3A_260] : memref<1000000x74xf32, #tpu.memory_space<hbm>> -> memref<1x74xf32, #tpu.memory_space<hbm>>
      %dma_start3A_262 = arith.constant 0 : i32
      %dma_start3A_263 = tpu.memref_slice %arg12[%add3A_257, %dma_start3A_262] : memref<512x74xf32, #tpu.memory_space<vmem>> -> memref<1x74xf32, #tpu.memory_space<vmem>>
      %dma_start3A_264 = arith.constant 0 : i32
      %dma_start3A_265 = tpu.memref_slice %arg5[%squeeze3A_253, %dma_start3A_264] : memref<1000000x74xf32, #tpu.memory_space<hbm>> -> memref<1x74xf32, #tpu.memory_space<hbm>>
      tpu.enqueue_dma source(%dma_start3A_265 : memref<1x74xf32, #tpu.memory_space<hbm>>) target(%dma_start3A_263 : memref<1x74xf32, #tpu.memory_space<vmem>>) target_semaphore(%arg14 : memref<!tpu.dma_semaphore, #tpu.memory_space<semaphore_mem>>)
      %slice3A_266 = vector.extract_strided_slice %get3A_99 {offsets = [12], sizes = [1], strides = [1]} : vector<16xi32> to vector<1xi32>
      %squeeze3A_267 = vector.extract %slice3A_266[0] : i32 from vector<1xi32>
      %mul3A_268 = arith.constant 16 : i32
      %mul3A_269 = arith.muli %scan3A_93, %mul3A_268 : i32
      %add3A_270 = arith.constant 12 : i32
      %add3A_271 = arith.addi %mul3A_269, %add3A_270 : i32
      %dma_start3A_272 = arith.constant 0 : i32
      %dma_start3A_273 = tpu.memref_slice %arg12[%add3A_271, %dma_start3A_272] : memref<512x74xf32, #tpu.memory_space<vmem>> -> memref<1x74xf32, #tpu.memory_space<vmem>>
      %dma_start3A_274 = arith.constant 0 : i32
      %dma_start3A_275 = tpu.memref_slice %arg5[%squeeze3A_267, %dma_start3A_274] : memref<1000000x74xf32, #tpu.memory_space<hbm>> -> memref<1x74xf32, #tpu.memory_space<hbm>>
      %dma_start3A_276 = arith.constant 0 : i32
      %dma_start3A_277 = tpu.memref_slice %arg12[%add3A_271, %dma_start3A_276] : memref<512x74xf32, #tpu.memory_space<vmem>> -> memref<1x74xf32, #tpu.memory_space<vmem>>
      %dma_start3A_278 = arith.constant 0 : i32
      %dma_start3A_279 = tpu.memref_slice %arg5[%squeeze3A_267, %dma_start3A_278] : memref<1000000x74xf32, #tpu.memory_space<hbm>> -> memref<1x74xf32, #tpu.memory_space<hbm>>
      tpu.enqueue_dma source(%dma_start3A_279 : memref<1x74xf32, #tpu.memory_space<hbm>>) target(%dma_start3A_277 : memref<1x74xf32, #tpu.memory_space<vmem>>) target_semaphore(%arg14 : memref<!tpu.dma_semaphore, #tpu.memory_space<semaphore_mem>>)
      %slice3A_280 = vector.extract_strided_slice %get3A_99 {offsets = [13], sizes = [1], strides = [1]} : vector<16xi32> to vector<1xi32>
      %squeeze3A_281 = vector.extract %slice3A_280[0] : i32 from vector<1xi32>
      %mul3A_282 = arith.constant 16 : i32
      %mul3A_283 = arith.muli %scan3A_93, %mul3A_282 : i32
      %add3A_284 = arith.constant 13 : i32
      %add3A_285 = arith.addi %mul3A_283, %add3A_284 : i32
      %dma_start3A_286 = arith.constant 0 : i32
      %dma_start3A_287 = tpu.memref_slice %arg12[%add3A_285, %dma_start3A_286] : memref<512x74xf32, #tpu.memory_space<vmem>> -> memref<1x74xf32, #tpu.memory_space<vmem>>
      %dma_start3A_288 = arith.constant 0 : i32
      %dma_start3A_289 = tpu.memref_slice %arg5[%squeeze3A_281, %dma_start3A_288] : memref<1000000x74xf32, #tpu.memory_space<hbm>> -> memref<1x74xf32, #tpu.memory_space<hbm>>
      %dma_start3A_290 = arith.constant 0 : i32
      %dma_start3A_291 = tpu.memref_slice %arg12[%add3A_285, %dma_start3A_290] : memref<512x74xf32, #tpu.memory_space<vmem>> -> memref<1x74xf32, #tpu.memory_space<vmem>>
      %dma_start3A_292 = arith.constant 0 : i32
      %dma_start3A_293 = tpu.memref_slice %arg5[%squeeze3A_281, %dma_start3A_292] : memref<1000000x74xf32, #tpu.memory_space<hbm>> -> memref<1x74xf32, #tpu.memory_space<hbm>>
      tpu.enqueue_dma source(%dma_start3A_293 : memref<1x74xf32, #tpu.memory_space<hbm>>) target(%dma_start3A_291 : memref<1x74xf32, #tpu.memory_space<vmem>>) target_semaphore(%arg14 : memref<!tpu.dma_semaphore, #tpu.memory_space<semaphore_mem>>)
      %slice3A_294 = vector.extract_strided_slice %get3A_99 {offsets = [14], sizes = [1], strides = [1]} : vector<16xi32> to vector<1xi32>
      %squeeze3A_295 = vector.extract %slice3A_294[0] : i32 from vector<1xi32>
      %mul3A_296 = arith.constant 16 : i32
      %mul3A_297 = arith.muli %scan3A_93, %mul3A_296 : i32
      %add3A_298 = arith.constant 14 : i32
      %add3A_299 = arith.addi %mul3A_297, %add3A_298 : i32
      %dma_start3A_300 = arith.constant 0 : i32
      %dma_start3A_301 = tpu.memref_slice %arg12[%add3A_299, %dma_start3A_300] : memref<512x74xf32, #tpu.memory_space<vmem>> -> memref<1x74xf32, #tpu.memory_space<vmem>>
      %dma_start3A_302 = arith.constant 0 : i32
      %dma_start3A_303 = tpu.memref_slice %arg5[%squeeze3A_295, %dma_start3A_302] : memref<1000000x74xf32, #tpu.memory_space<hbm>> -> memref<1x74xf32, #tpu.memory_space<hbm>>
      %dma_start3A_304 = arith.constant 0 : i32
      %dma_start3A_305 = tpu.memref_slice %arg12[%add3A_299, %dma_start3A_304] : memref<512x74xf32, #tpu.memory_space<vmem>> -> memref<1x74xf32, #tpu.memory_space<vmem>>
      %dma_start3A_306 = arith.constant 0 : i32
      %dma_start3A_307 = tpu.memref_slice %arg5[%squeeze3A_295, %dma_start3A_306] : memref<1000000x74xf32, #tpu.memory_space<hbm>> -> memref<1x74xf32, #tpu.memory_space<hbm>>
      tpu.enqueue_dma source(%dma_start3A_307 : memref<1x74xf32, #tpu.memory_space<hbm>>) target(%dma_start3A_305 : memref<1x74xf32, #tpu.memory_space<vmem>>) target_semaphore(%arg14 : memref<!tpu.dma_semaphore, #tpu.memory_space<semaphore_mem>>)
      %slice3A_308 = vector.extract_strided_slice %get3A_99 {offsets = [15], sizes = [1], strides = [1]} : vector<16xi32> to vector<1xi32>
      %squeeze3A_309 = vector.extract %slice3A_308[0] : i32 from vector<1xi32>
      %mul3A_310 = arith.constant 16 : i32
      %mul3A_311 = arith.muli %scan3A_93, %mul3A_310 : i32
      %add3A_312 = arith.constant 15 : i32
      %add3A_313 = arith.addi %mul3A_311, %add3A_312 : i32
      %dma_start3A_314 = arith.constant 0 : i32
      %dma_start3A_315 = tpu.memref_slice %arg12[%add3A_313, %dma_start3A_314] : memref<512x74xf32, #tpu.memory_space<vmem>> -> memref<1x74xf32, #tpu.memory_space<vmem>>
      %dma_start3A_316 = arith.constant 0 : i32
      %dma_start3A_317 = tpu.memref_slice %arg5[%squeeze3A_309, %dma_start3A_316] : memref<1000000x74xf32, #tpu.memory_space<hbm>> -> memref<1x74xf32, #tpu.memory_space<hbm>>
      %dma_start3A_318 = arith.constant 0 : i32
      %dma_start3A_319 = tpu.memref_slice %arg12[%add3A_313, %dma_start3A_318] : memref<512x74xf32, #tpu.memory_space<vmem>> -> memref<1x74xf32, #tpu.memory_space<vmem>>
      %dma_start3A_320 = arith.constant 0 : i32
      %dma_start3A_321 = tpu.memref_slice %arg5[%squeeze3A_309, %dma_start3A_320] : memref<1000000x74xf32, #tpu.memory_space<hbm>> -> memref<1x74xf32, #tpu.memory_space<hbm>>
      tpu.enqueue_dma source(%dma_start3A_321 : memref<1x74xf32, #tpu.memory_space<hbm>>) target(%dma_start3A_319 : memref<1x74xf32, #tpu.memory_space<vmem>>) target_semaphore(%arg14 : memref<!tpu.dma_semaphore, #tpu.memory_space<semaphore_mem>>)
    }
    %scan3A_47 = arith.constant 32 : i32
    %dma_wait3A = arith.constant 0 : i32
    %dma_wait3A_48 = arith.constant 0 : i32
    %dma_wait3A_49 = tpu.memref_slice %arg5[%dma_wait3A, %dma_wait3A_48] : memref<1000000x74xf32, #tpu.memory_space<hbm>> -> memref<512x74xf32, #tpu.memory_space<hbm>>
    %dma_wait3A_50 = arith.constant 0 : i32
    %dma_wait3A_51 = arith.constant 0 : i32
    %dma_wait3A_52 = tpu.memref_slice %arg5[%dma_wait3A_50, %dma_wait3A_51] : memref<1000000x74xf32, #tpu.memory_space<hbm>> -> memref<512x74xf32, #tpu.memory_space<hbm>>
    tpu.wait_dma2 semaphore(%arg14 : memref<!tpu.dma_semaphore, #tpu.memory_space<semaphore_mem>>) src(%dma_wait3A_52 : memref<512x74xf32, #tpu.memory_space<hbm>>) dst(%arg12 : memref<512x74xf32, #tpu.memory_space<vmem>>)
    %dma_wait3A_53 = arith.constant 0 : i32
    %dma_wait3A_54 = arith.constant 0 : i32
    %dma_wait3A_55 = arith.constant 0 : i32
    %dma_wait3A_56 = tpu.memref_slice %arg11[%dma_wait3A_54, %dma_wait3A_55] : memref<512x64xf32, #tpu.memory_space<vmem>> -> memref<128x64xf32, #tpu.memory_space<vmem>>
    %dma_wait3A_57 = arith.constant 0 : i32
    %dma_wait3A_58 = tpu.memref_slice %arg9[%dma_wait3A_53, %dma_wait3A_57] : memref<4x128xi32, #tpu.memory_space<vmem>> -> memref<1x128xi32, #tpu.memory_space<vmem>>
    %dma_wait3A_59 = tpu.memref_squeeze %dma_wait3A_58 : memref<1x128xi32, #tpu.memory_space<vmem>> -> memref<128xi32, #tpu.memory_space<vmem>>
    %dma_wait3A_60 = arith.constant 0 : i32
    %dma_wait3A_61 = arith.constant 0 : i32
    %dma_wait3A_62 = tpu.memref_slice %arg4[%dma_wait3A_60, %dma_wait3A_61] : memref<1000000x64xf32, #tpu.memory_space<hbm>> -> memref<1000000x64xf32, #tpu.memory_space<hbm>>
    tpu.wait_indirect_dma semaphore(%arg13 : memref<!tpu.dma_semaphore, #tpu.memory_space<semaphore_mem>>) src(%dma_wait3A_62 : memref<1000000x64xf32, #tpu.memory_space<hbm>>) dst(%dma_wait3A_56 : memref<128x64xf32, #tpu.memory_space<vmem>>)
    %dma_wait3A_63 = arith.constant 1 : i32
    %dma_wait3A_64 = arith.constant 128 : i32
    %dma_wait3A_65 = arith.constant 0 : i32
    %dma_wait3A_66 = tpu.memref_slice %arg11[%dma_wait3A_64, %dma_wait3A_65] : memref<512x64xf32, #tpu.memory_space<vmem>> -> memref<128x64xf32, #tpu.memory_space<vmem>>
    %dma_wait3A_67 = arith.constant 0 : i32
    %dma_wait3A_68 = tpu.memref_slice %arg9[%dma_wait3A_63, %dma_wait3A_67] : memref<4x128xi32, #tpu.memory_space<vmem>> -> memref<1x128xi32, #tpu.memory_space<vmem>>
    %dma_wait3A_69 = tpu.memref_squeeze %dma_wait3A_68 : memref<1x128xi32, #tpu.memory_space<vmem>> -> memref<128xi32, #tpu.memory_space<vmem>>
    %dma_wait3A_70 = arith.constant 0 : i32
    %dma_wait3A_71 = arith.constant 0 : i32
    %dma_wait3A_72 = tpu.memref_slice %arg4[%dma_wait3A_70, %dma_wait3A_71] : memref<1000000x64xf32, #tpu.memory_space<hbm>> -> memref<1000000x64xf32, #tpu.memory_space<hbm>>
    tpu.wait_indirect_dma semaphore(%arg13 : memref<!tpu.dma_semaphore, #tpu.memory_space<semaphore_mem>>) src(%dma_wait3A_72 : memref<1000000x64xf32, #tpu.memory_space<hbm>>) dst(%dma_wait3A_66 : memref<128x64xf32, #tpu.memory_space<vmem>>)
    %dma_wait3A_73 = arith.constant 2 : i32
    %dma_wait3A_74 = arith.constant 256 : i32
    %dma_wait3A_75 = arith.constant 0 : i32
    %dma_wait3A_76 = tpu.memref_slice %arg11[%dma_wait3A_74, %dma_wait3A_75] : memref<512x64xf32, #tpu.memory_space<vmem>> -> memref<128x64xf32, #tpu.memory_space<vmem>>
    %dma_wait3A_77 = arith.constant 0 : i32
    %dma_wait3A_78 = tpu.memref_slice %arg9[%dma_wait3A_73, %dma_wait3A_77] : memref<4x128xi32, #tpu.memory_space<vmem>> -> memref<1x128xi32, #tpu.memory_space<vmem>>
    %dma_wait3A_79 = tpu.memref_squeeze %dma_wait3A_78 : memref<1x128xi32, #tpu.memory_space<vmem>> -> memref<128xi32, #tpu.memory_space<vmem>>
    %dma_wait3A_80 = arith.constant 0 : i32
    %dma_wait3A_81 = arith.constant 0 : i32
    %dma_wait3A_82 = tpu.memref_slice %arg4[%dma_wait3A_80, %dma_wait3A_81] : memref<1000000x64xf32, #tpu.memory_space<hbm>> -> memref<1000000x64xf32, #tpu.memory_space<hbm>>
    tpu.wait_indirect_dma semaphore(%arg13 : memref<!tpu.dma_semaphore, #tpu.memory_space<semaphore_mem>>) src(%dma_wait3A_82 : memref<1000000x64xf32, #tpu.memory_space<hbm>>) dst(%dma_wait3A_76 : memref<128x64xf32, #tpu.memory_space<vmem>>)
    %dma_wait3A_83 = arith.constant 3 : i32
    %dma_wait3A_84 = arith.constant 384 : i32
    %dma_wait3A_85 = arith.constant 0 : i32
    %dma_wait3A_86 = tpu.memref_slice %arg11[%dma_wait3A_84, %dma_wait3A_85] : memref<512x64xf32, #tpu.memory_space<vmem>> -> memref<128x64xf32, #tpu.memory_space<vmem>>
    %dma_wait3A_87 = arith.constant 0 : i32
    %dma_wait3A_88 = tpu.memref_slice %arg9[%dma_wait3A_83, %dma_wait3A_87] : memref<4x128xi32, #tpu.memory_space<vmem>> -> memref<1x128xi32, #tpu.memory_space<vmem>>
    %dma_wait3A_89 = tpu.memref_squeeze %dma_wait3A_88 : memref<1x128xi32, #tpu.memory_space<vmem>> -> memref<128xi32, #tpu.memory_space<vmem>>
    %dma_wait3A_90 = arith.constant 0 : i32
    %dma_wait3A_91 = arith.constant 0 : i32
    %dma_wait3A_92 = tpu.memref_slice %arg4[%dma_wait3A_90, %dma_wait3A_91] : memref<1000000x64xf32, #tpu.memory_space<hbm>> -> memref<1000000x64xf32, #tpu.memory_space<hbm>>
    tpu.wait_indirect_dma semaphore(%arg13 : memref<!tpu.dma_semaphore, #tpu.memory_space<semaphore_mem>>) src(%dma_wait3A_92 : memref<1000000x64xf32, #tpu.memory_space<hbm>>) dst(%dma_wait3A_86 : memref<128x64xf32, #tpu.memory_space<vmem>>)
    "tpu.region"() ({
      %run_scoped3A = tpu.sem_alloc : memref<!tpu.dma_semaphore, #tpu.memory_space<semaphore_mem>>
      %dma_start3A_93 = arith.constant 0 : i32
      %dma_start3A_94 = tpu.memref_slice %arg6[%mul3A_2, %dma_start3A_93] : memref<16384x64xf32, #tpu.memory_space<hbm>> -> memref<512x64xf32, #tpu.memory_space<hbm>>
      %dma_start3A_95 = arith.constant 0 : i32
      %dma_start3A_96 = tpu.memref_slice %arg6[%mul3A_2, %dma_start3A_95] : memref<16384x64xf32, #tpu.memory_space<hbm>> -> memref<512x64xf32, #tpu.memory_space<hbm>>
      tpu.enqueue_dma source(%arg11 : memref<512x64xf32, #tpu.memory_space<vmem>>) target(%dma_start3A_96 : memref<512x64xf32, #tpu.memory_space<hbm>>) target_semaphore(%run_scoped3A : memref<!tpu.dma_semaphore, #tpu.memory_space<semaphore_mem>>)
      %dma_wait3A_97 = arith.constant 0 : i32
      %dma_wait3A_98 = tpu.memref_slice %arg6[%mul3A_2, %dma_wait3A_97] : memref<16384x64xf32, #tpu.memory_space<hbm>> -> memref<512x64xf32, #tpu.memory_space<hbm>>
      %dma_wait3A_99 = arith.constant 0 : i32
      %dma_wait3A_100 = tpu.memref_slice %arg6[%mul3A_2, %dma_wait3A_99] : memref<16384x64xf32, #tpu.memory_space<hbm>> -> memref<512x64xf32, #tpu.memory_space<hbm>>
      tpu.wait_dma2 semaphore(%run_scoped3A : memref<!tpu.dma_semaphore, #tpu.memory_space<semaphore_mem>>) src(%arg11 : memref<512x64xf32, #tpu.memory_space<vmem>>) dst(%dma_wait3A_100 : memref<512x64xf32, #tpu.memory_space<hbm>>)
      tpu.yield
    }) : () -> ()
    "tpu.region"() ({
      %run_scoped3A = tpu.sem_alloc : memref<!tpu.dma_semaphore, #tpu.memory_space<semaphore_mem>>
      %dma_start3A_93 = arith.constant 0 : i32
      %dma_start3A_94 = arith.constant 0 : i32
      %dma_start3A_95 = tpu.memref_slice %arg12[%dma_start3A_93, %dma_start3A_94] : memref<512x74xf32, #tpu.memory_space<vmem>> -> memref<512x64xf32, #tpu.memory_space<vmem>>
      %dma_start3A_96 = arith.constant 0 : i32
      %dma_start3A_97 = tpu.memref_slice %arg7[%mul3A_2, %dma_start3A_96] : memref<16384x64xf32, #tpu.memory_space<hbm>> -> memref<512x64xf32, #tpu.memory_space<hbm>>
      %dma_start3A_98 = arith.constant 0 : i32
      %dma_start3A_99 = tpu.memref_slice %arg7[%mul3A_2, %dma_start3A_98] : memref<16384x64xf32, #tpu.memory_space<hbm>> -> memref<512x64xf32, #tpu.memory_space<hbm>>
      %dma_start3A_100 = arith.constant 0 : i32
      %dma_start3A_101 = arith.constant 0 : i32
      %dma_start3A_102 = tpu.memref_slice %arg12[%dma_start3A_100, %dma_start3A_101] : memref<512x74xf32, #tpu.memory_space<vmem>> -> memref<512x64xf32, #tpu.memory_space<vmem>>
      tpu.enqueue_dma source(%dma_start3A_102 : memref<512x64xf32, #tpu.memory_space<vmem>>) target(%dma_start3A_99 : memref<512x64xf32, #tpu.memory_space<hbm>>) target_semaphore(%run_scoped3A : memref<!tpu.dma_semaphore, #tpu.memory_space<semaphore_mem>>)
      %dma_wait3A_103 = arith.constant 0 : i32
      %dma_wait3A_104 = arith.constant 0 : i32
      %dma_wait3A_105 = tpu.memref_slice %arg12[%dma_wait3A_103, %dma_wait3A_104] : memref<512x74xf32, #tpu.memory_space<vmem>> -> memref<512x64xf32, #tpu.memory_space<vmem>>
      %dma_wait3A_106 = arith.constant 0 : i32
      %dma_wait3A_107 = tpu.memref_slice %arg7[%mul3A_2, %dma_wait3A_106] : memref<16384x64xf32, #tpu.memory_space<hbm>> -> memref<512x64xf32, #tpu.memory_space<hbm>>
      %dma_wait3A_108 = arith.constant 0 : i32
      %dma_wait3A_109 = tpu.memref_slice %arg7[%mul3A_2, %dma_wait3A_108] : memref<16384x64xf32, #tpu.memory_space<hbm>> -> memref<512x64xf32, #tpu.memory_space<hbm>>
      %dma_wait3A_110 = arith.constant 0 : i32
      %dma_wait3A_111 = arith.constant 0 : i32
      %dma_wait3A_112 = tpu.memref_slice %arg12[%dma_wait3A_110, %dma_wait3A_111] : memref<512x74xf32, #tpu.memory_space<vmem>> -> memref<512x64xf32, #tpu.memory_space<vmem>>
      tpu.wait_dma2 semaphore(%run_scoped3A : memref<!tpu.dma_semaphore, #tpu.memory_space<semaphore_mem>>) src(%dma_wait3A_112 : memref<512x64xf32, #tpu.memory_space<vmem>>) dst(%dma_wait3A_109 : memref<512x64xf32, #tpu.memory_space<hbm>>)
      tpu.yield
    }) : () -> ()
    "tpu.region"() ({
      %run_scoped3A = tpu.sem_alloc : memref<!tpu.dma_semaphore, #tpu.memory_space<semaphore_mem>>
      %dma_start3A_93 = arith.constant 0 : i32
      %dma_start3A_94 = arith.constant 64 : i32
      %dma_start3A_95 = tpu.memref_slice %arg12[%dma_start3A_93, %dma_start3A_94] : memref<512x74xf32, #tpu.memory_space<vmem>> -> memref<512x10xf32, #tpu.memory_space<vmem>>
      %dma_start3A_96 = arith.constant 0 : i32
      %dma_start3A_97 = tpu.memref_slice %arg8[%mul3A_2, %dma_start3A_96] : memref<16384x10xf32, #tpu.memory_space<hbm>> -> memref<512x10xf32, #tpu.memory_space<hbm>>
      %dma_start3A_98 = arith.constant 0 : i32
      %dma_start3A_99 = tpu.memref_slice %arg8[%mul3A_2, %dma_start3A_98] : memref<16384x10xf32, #tpu.memory_space<hbm>> -> memref<512x10xf32, #tpu.memory_space<hbm>>
      %dma_start3A_100 = arith.constant 0 : i32
      %dma_start3A_101 = arith.constant 64 : i32
      %dma_start3A_102 = tpu.memref_slice %arg12[%dma_start3A_100, %dma_start3A_101] : memref<512x74xf32, #tpu.memory_space<vmem>> -> memref<512x10xf32, #tpu.memory_space<vmem>>
      tpu.enqueue_dma source(%dma_start3A_102 : memref<512x10xf32, #tpu.memory_space<vmem>>) target(%dma_start3A_99 : memref<512x10xf32, #tpu.memory_space<hbm>>) target_semaphore(%run_scoped3A : memref<!tpu.dma_semaphore, #tpu.memory_space<semaphore_mem>>)
      %dma_wait3A_103 = arith.constant 0 : i32
      %dma_wait3A_104 = arith.constant 64 : i32
      %dma_wait3A_105 = tpu.memref_slice %arg12[%dma_wait3A_103, %dma_wait3A_104] : memref<512x74xf32, #tpu.memory_space<vmem>> -> memref<512x10xf32, #tpu.memory_space<vmem>>
      %dma_wait3A_106 = arith.constant 0 : i32
      %dma_wait3A_107 = tpu.memref_slice %arg8[%mul3A_2, %dma_wait3A_106] : memref<16384x10xf32, #tpu.memory_space<hbm>> -> memref<512x10xf32, #tpu.memory_space<hbm>>
      %dma_wait3A_108 = arith.constant 0 : i32
      %dma_wait3A_109 = tpu.memref_slice %arg8[%mul3A_2, %dma_wait3A_108] : memref<16384x10xf32, #tpu.memory_space<hbm>> -> memref<512x10xf32, #tpu.memory_space<hbm>>
      %dma_wait3A_110 = arith.constant 0 : i32
      %dma_wait3A_111 = arith.constant 64 : i32
      %dma_wait3A_112 = tpu.memref_slice %arg12[%dma_wait3A_110, %dma_wait3A_111] : memref<512x74xf32, #tpu.memory_space<vmem>> -> memref<512x10xf32, #tpu.memory_space<vmem>>
      tpu.wait_dma2 semaphore(%run_scoped3A : memref<!tpu.dma_semaphore, #tpu.memory_space<semaphore_mem>>) src(%dma_wait3A_112 : memref<512x10xf32, #tpu.memory_space<vmem>>) dst(%dma_wait3A_109 : memref<512x10xf32, #tpu.memory_space<hbm>>)
      tpu.yield
    }) : () -> ()
    return
  }
}

</mosaic_0001>

<sc_bundles>
// kernel: kernel.3.cloned.1.call-start
scs
__scs_entry_jumppad:
0x0: {  	(pc) =	sbr.rel $0x88, $3  }
0x1: {  	(tag) =	ssettag $0x0;
	lr =	simm.s32 $0x1  }
0x2: {  	[smem:$0x3F9D] =	sst lr;
	_ =	strace $0xD0000000  }
0x3: {  	_ = 	snop  }
0x4: {  	_ = 	snop  }
0x5: {  	_ = 	snop  }
0x6: {  	_ = 	snop  }
0x7: {  	_ = 	snop  }
__scs_overlays_trampoline_lowered:
0x8: {  	[smem:$0x3FAC] =	sst s0  }
0x9: {  	[smem:$0x3FAD] =	sst s1  }
0xa: {  	[smem:$0x3FAE] =	sst s2  }
0xb: {  	[smem:$0x3FAF] =	sst s3  }
0xc: {  	[smem:$0x3FB0] =	sst s4  }
0xd: {  	[smem:$0x3FB1] =	sst s5  }
0xe: {  	[smem:$0x3FB2] =	sst s6  }
0xf: {  	[smem:$0x3FB3] =	sst s7  }
0x10: {  	[smem:$0x3FB4] =	sst s8  }
0x11: {  	[smem:$0x3FB5] =	sst s9;
	s0 =	simm.s32 @!p0 $0x0  }
0x12: {  	s1 =	sld [smem:$0x3F9B];
	s0 =	simm.s32 @p0 $0x1  }
0x13: {  	[smem:$0x3FB6] =	sst s0;
	s0 =	simm.s32 @!p1 $0x0  }
0x14: {  	s2 =	sld [smem:$0x3F9A];
	s0 =	simm.s32 @p1 $0x1  }
0x15: {  	[smem:$0x3FB7] =	sst s0;
	s0 =	simm.s32 @!p2 $0x0  }
0x16: {  	s3 =	sld [smem:$0x3FDB];
	s0 =	simm.s32 @p2 $0x1  }
0x17: {  	s4 =	simm.s32 $0x1BF5;
	[smem:$0x3FB9] =	sst s0  }
0x18: {  	s0 =	sld [smem:$0x3F9C];
	_ =	swait.ge [sflag:s4], $0x0  }
0x19: {  	s7 =	sld [smem:$0x3F9D]  }
0x1a: {  	s8 =	sadd.s32 $0xFFFFE003, lr  }
0x1b: {  	s9 =	sadd.s32 $0xFFFFFEF7, lr;
	s5 =	simm.s32 $0xFFFFFFFF;
	p2 =	slt.u32 s8, $0xFFFFF086  }
0x1c: {  	p1 =	slt.u32 s9, $0xF7A;
	s5 =	simm.s32 @!p2 $0x0  }
0x1d: {  	s5 =	simm.s32 @p1 $0x1;
	p0 =	seq.s32 s7, s2  }
0x1e: {  	s7 =	smul.u32 @!p0 $0xF7A, s2;
	p2 =	seq.s32 @!p0 s5, $0x0  }
0x1f: {  	s9 =	smul.u32 $0xF7A, s1;
	s8 =	simm.s32 @!p0 $0x1BF5;
	p2 =	por !p2, p0  }
0x20: {  	[sflag:s8] =	ssyncset.s32 @!p0 $0xFFFFF086;
	s6 =	sadd.s32 @!p0 s3, s7;
	s7 =	simm.s32 @!p0 $0x108  }
0x21: {  	s3 =	sadd.s32 s3, s9;
	s6 =	sadd.s32 @!p0 $0x88, s6;
	s7 =	simm.s32 @p2 $0x1082  }
0x22: {  	[simem:s7], [sflag:s8] =	dma.local @!p0 [hbm:s6], $0xF7A  }
0x23: {  	s9 =	sor.u32 $0xD0000000, s2;
	s6 =	simm.s32 $0x108;
	_ =	swait.ge @!p0 [sflag:s8], $0x0  }
0x24: {  	s3 =	sadd.s32 $0x88, s3;
	s6 =	simm.s32 @!p1 $0x1082;
	[sflag:s4] =	ssyncset.s32 $0xFFFFF086  }
0x25: {  	[simem:s6], [sflag:s4] =	dma.local [hbm:s3], $0xF7A  }
0x26: {  	[smem:$0x3F9D] =	sst s1;
	(tag) =	ssettag s2;
	_ =	strace s9  }
0x27: {  	s1 =	sld [smem:$0x3FAD]  }
0x28: {  	s2 =	sld [smem:$0x3FAE]  }
0x29: {  	s4 =	sld [smem:$0x3FB0]  }
0x2a: {  	p0 =	seq.s32 s5, $0x0;
	s5 =	sld [smem:$0x3FB1]  }
0x2b: {  	s6 =	sld [smem:$0x3FB2]  }
0x2c: {  	s7 =	sld [smem:$0x3FB3]  }
0x2d: {  	s3 =	simm.s32 $0x108;
	s8 =	sld [smem:$0x3FB4]  }
0x2e: {  	s3 =	simm.s32 @!p0 $0x1082;
	s9 =	sld [smem:$0x3FB5]  }
0x2f: {  	lr =	sadd.s32 s0, s3;
	s0 =	sld [smem:$0x3FAC]  }
0x30: {  	s3 =	sld [smem:$0x3FAF]  }
0x31: {  	[smem:$0x3FB8] =	sst s10  }
0x32: {  	s10 =	sld [smem:$0x3FB6];
	_ =	sdelay $0x3  }
0x33: {  	p0 =	seq.s32 s10, $0x1;
	s10 =	sld [smem:$0x3FB8];
	_ =	sdelay $0x3  }
0x34: {  	[smem:$0x3FB8] =	sst s10  }
0x35: {  	s10 =	sld [smem:$0x3FB7];
	_ =	sdelay $0x3  }
0x36: {  	p1 =	seq.s32 s10, $0x1;
	s10 =	sld [smem:$0x3FB8];
	_ =	sdelay $0x3  }
0x37: {  	[smem:$0x3FB8] =	sst s10  }
0x38: {  	s10 =	sld [smem:$0x3FB9]  }
0x39: {  	_ = 	snop;
	(pc) =	sbr.ind lr, $3  }
0x3a: {  	_ = 	snop  }
0x3b: {  	_ = 	snop  }
0x3c: {  	p2 =	seq.s32 s10, $0x1;
	s10 =	sld [smem:$0x3FB8]  }
0x3d: {  	_ =	shalt  }
0x3e: {  	_ =	shalt  }
0x3f: {  	_ =	shalt  }
0x40: {  	_ =	shalt  }
0x41: {  	_ =	shalt  }
0x42: {  	_ =	shalt  }
0x43: {  	_ =	shalt  }
0x44: {  	_ =	shalt  }
0x45: {  	_ =	shalt  }
0x46: {  	_ =	shalt  }
0x47: {  	_ =	shalt  }
0x48: {  	_ =	shalt  }
0x49: {  	_ =	shalt  }
0x4a: {  	_ =	shalt  }
0x4b: {  	_ =	shalt  }
0x4c: {  	_ =	shalt  }
0x4d: {  	_ =	shalt  }
0x4e: {  	_ =	shalt  }
0x4f: {  	_ =	shalt  }
0x50: {  	_ =	shalt  }
0x51: {  	_ =	shalt  }
0x52: {  	_ =	shalt  }
0x53: {  	_ =	shalt  }
0x54: {  	_ =	shalt  }
0x55: {  	_ =	shalt  }
0x56: {  	_ =	shalt  }
0x57: {  	_ =	shalt  }
0x58: {  	_ =	shalt  }
0x59: {  	_ =	shalt  }
0x5a: {  	_ =	shalt  }
0x5b: {  	_ =	shalt  }
0x5c: {  	_ =	shalt  }
0x5d: {  	_ =	shalt  }
0x5e: {  	_ =	shalt  }
0x5f: {  	_ =	shalt  }
0x60: {  	_ =	shalt  }
0x61: {  	_ =	shalt  }
0x62: {  	_ =	shalt  }
0x63: {  	_ =	shalt  }
0x64: {  	_ =	shalt  }
0x65: {  	_ =	shalt  }
0x66: {  	_ =	shalt  }
0x67: {  	_ =	shalt  }
0x68: {  	_ =	shalt  }
0x69: {  	_ =	shalt  }
0x6a: {  	_ =	shalt  }
0x6b: {  	_ =	shalt  }
0x6c: {  	_ =	shalt  }
0x6d: {  	_ =	shalt  }
0x6e: {  	_ =	shalt  }
0x6f: {  	_ =	shalt  }
0x70: {  	_ =	shalt  }
0x71: {  	_ =	shalt  }
0x72: {  	_ =	shalt  }
0x73: {  	_ =	shalt  }
0x74: {  	_ =	shalt  }
0x75: {  	_ =	shalt  }
0x76: {  	_ =	shalt  }
0x77: {  	_ =	shalt  }
0x78: {  	_ =	shalt  }
0x79: {  	_ =	shalt  }
0x7a: {  	_ =	shalt  }
0x7b: {  	_ =	shalt  }
0x7c: {  	_ =	shalt  }
0x7d: {  	_ =	shalt  }
0x7e: {  	_ =	shalt  }
0x7f: {  	_ =	shalt  }
0x80: {  	_ =	shalt  }
0x81: {  	_ =	shalt  }
0x82: {  	_ =	shalt  }
0x83: {  	_ =	shalt  }
0x84: {  	_ =	shalt  }
0x85: {  	_ =	shalt  }
0x86: {  	_ =	shalt  }
0x87: {  	_ =	shalt  }
.Lfunc_end0:
.L_simem_size_0:
called_computation_lowered:
.L_overlay_start_0:
0x88: {  	s2 =	sld [smem:$0x3FD9]  }
0x89: {  	s3 =	sld [smem:$0x3FFE];
	_ =	sdelay $0x1  }
0x8a: {  	s1 =	srdreg.scid  }
0x8b: {  	s0 =	sand.u32 $0x1, s1  }
0x8c: {  	s14 =	sshll.u32 s0, $0xA;
	s2 =	sadd.s32 s3, s2  }
0x8d: {  	s2 =	sadd.s32 s2, s14  }
0x8e: {  	[smem:$0x3FC4] =	sst s2  }
0x8f: {  	_ = 	snop  }
0x90: {  	s2 =	sld [smem:$0x3FD0];
	_ =	sdelay $0x1  }
0x91: {  	s15 =	sld [smem:$0x3FC9]  }
0x92: {  	s5 =	simm.s32 $0xA;
	s6 =	simm.s32 $0x10;
	s4 =	sld [smem:$0x3FC8]  }
0x93: {  	[smem:s6], [sflag:s5] =	dma.local [hbm:s2], $0x1  }
0x94: {  	_ =	swait.eq [sflag:s5], $0x1  }
0x95: {  	[sflag:s5] =	ssyncset.done $0x0  }
0x96: {  	s16 =	sld [smem:$0x11];
	[sflag:s5] =	ssyncadd.s32 $0xFFFFFFFF  }
0x97: {  	s17 =	sld [smem:$0x12];
	(tm) =	ssettm $0x1  }
0x98: {  	s18 =	sld [smem:$0x3FFB];
	_ =	sdelay $0x3  }
0x99: {  	_ =	strace s18  }
0x9a: {  	s6 =	sld [smem:$0x3FFC];
	_ =	sdelay $0x3  }
0x9b: {  	_ =	strace s6  }
0x9c: {  	s6 =	sld [smem:$0x3FFD];
	_ =	sdelay $0x3  }
0x9d: {  	_ =	strace s6  }
0x9e: {  	_ =	strace $0x8FFFFFFF  }
0x9f: {  	s19 =	sld [smem:$0x3FDB];
	_ =	sdelay $0x1  }
0xa0: {  	s7 =	simm.s32 $_scs_section_size  }
0xa1: {  	s8 =	simm.s32 $_size__tile_overlayer_lowered;
	s9 =	simm.s32 $_tile_overlayer_lowered  }
0xa2: {  	s22 =	simm.s32 $0x1BFF;
	s21 =	sshll.u32 s9, $0x1;
	s6 =	sadd.s32 s7, s19  }
0xa3: {  	s10 =	simm.s32 $0x0;
	s20 =	sshll.u32 s8, $0x1;
	s8 =	sadd.s32 s21, s6  }
0xa4: {  	[timem:s10], [sflag:s22] =	dma.local [hbm:s8], s20  }
0xa5: {  	_ =	swait.ge [sflag:s22], s20  }
0xa6: {  	s7 =	ssub.s32 $0x0, s20;
	[sflag:s22] =	ssyncset.done $0x0  }
0xa7: {  	[sflag:s22] =	ssyncadd.s32 s7;
	_ =	sdelay $0x1  }
0xa8: {  	s23 =	simm.s32 $0x1B8B  }
0xa9: {  	_ =	swait.ge [sflag:s23], $0x1  }
0xaa: {  	[sflag:s23] =	ssyncset.done $0x0  }
0xab: {  	s25 =	simm.s32 $0x1B8E;
	s24 =	sld [smem:$0x3FFE];
	[sflag:s23] =	ssyncadd.s32 $0xFFFFFFFF  }
0xac: {  	s26 =	simm.s32 $execute0_lowered;
	[smem:$0x3FD2] =	sst s25  }
0xad: {  	s8 =	sshll.u32 s26, $0x1;
	_ =	strace $0x80000046;
	[dreg:$0x1] =	wrdreg $0xFFFFFFFF  }
0xae: {  	s28 =	simm.s32 $_size_execute0_lowered;
	s6 =	sadd.s32 s6, s8;
	[dreg:$0x0] =	wrdreg $0x0  }
0xaf: {  	s8 =	sshll.u32 s28, $0x1;
	[dreg:$0x2] =	wrdreg s6  }
0xb0: {  	[dreg:$0x3] =	wrdreg s8  }
0xb1: {  	[dreg:$0x4] =	wrdreg $0xC0  }
0xb2: {  	_ =	task [dreg:s10], $0x5FFFF  }
0xb3: {  	[dreg:$0x1] =	wrdreg $0xFFFFFFFF  }
0xb4: {  	[dreg:$0x0] =	wrdreg $0x60  }
0xb5: {  	[dreg:$0x2] =	wrdreg s15  }
0xb6: {  	[dreg:$0x3] =	wrdreg s4  }
0xb7: {  	[dreg:$0x4] =	wrdreg s24  }
0xb8: {  	[dreg:$0x5] =	wrdreg s16  }
0xb9: {  	[dreg:$0x6] =	wrdreg s17  }
0xba: {  	[dreg:$0x7] =	wrdreg $0x9  }
0xbb: {  	_ =	task.clear_ibuf [dreg:s10], $0x8FFFF;
	_ =	strace $0x90000046  }
0xbc: {  	s29 =	simm.s32 $0x9;
	_ =	strace $0x80000048  }
0xbd: {  	_ =	swait.ge [sflag:s29], $0x1  }
0xbe: {  	[sflag:s29] =	ssyncadd.s32 $0xFFFFFFFF  }
0xbf: {  	_ =	strace $0x90000048  }
0xc0: {  	_ =	sfence  }
0xc1: {  	s30 =	sld [smem:$0x0];
	_ =	sdelay $0x2  }
0xc2: {  	s31 =	sshll.u32 s1, $0xD;
	s1 =	sshrl.u32 s1, $0x2  }
0xc3: {  	s3 =	sand.u32 $0x4000, s31;
	s1 =	sadd.s32 s1, s30  }
0xc4: {  	s0 =	sor.u32 s3, s0;
	s1 =	sshll.u32 s1, $0x11  }
0xc5: {  	s0 =	sor.u32 s1, s0  }
0xc6: {  	s0 =	sadd.s32 $0x8F2B, s0  }
0xc7: {  	[sflag:s0] =	ssyncadd.remote.s32 $0x1  }
0xc8: {  	_ =	sfence.sel $0xFFFF  }
0xc9: {  	[dreg:$0x0] =	wrdreg $0xFFFFFFFF;
	(pc) =	sbr.abs _section_cstart, $3  }
0xca: {  	[dreg:$0x1] =	wrdreg $0xFFFFFFFF  }
0xcb: {  	_ =	task.clear_ibuf [dreg:s10], $0x2FFFF;
	_ =	strace $0x9FFFFFFF  }
0xcc: {  	(tm) =	ssettm $0x7FFFFFFF  }
0xcd: {  	_ =	shalt  }
tec
execute0_lowered:
.L_overlay_start_1:
0x0: {  	(tag) =	ssettag $0x1  }
0x1: {  	s4 =	rddreg [dreg:$0x0]  }
0x2: {  	s5 =	rddreg [dreg:$0x1]  }
0x3: {  	s6 =	rddreg [dreg:$0x2]  }
0x4: {  	s7 =	rddreg [dreg:$0x3]  }
0x5: {  	s8 =	rddreg [dreg:$0x4]  }
0x6: {  	s0 =	rddreg [dreg:$0x5];
	s2 =	simm.s32 $0x0;
	s9 =	srdreg.scid  }
0x7: {  	s1 =	stileid.u32;
	s14 =	simm.s32 $0x100;
	s15 =	simm.s32 $0x4400  }
0x8: {  	s16 =	simm.s32 $0x180;
	s17 =	simm.s32 $0x6400;
	s18 =	simm.s32 $0x2  }
0x9: {  	s19 =	simm.s32 $0x1;
	s20 =	simm.s32 $0x0;
	[smem:$0x7FF] =	sst s2  }
0xa: {  	s3 =	sadd.s32 $0x18CC400, s6;
	s9 =	sand.u32 $0x1, s9;
	s10 =	sshll.u32 s1, $0x1  }
0xb: {  	s11 =	sadd.s32 $0x800, s6;
	_ =	strace $0x80000047;
	s10 =	sor.u32 s9, s10  }
0xc: {  	s9 =	ssub.s32 $0x2, s9;
	[dreg:$0x6] =	wrdreg s11;
	s11 =	simm.s32 $0x80  }
0xd: {  	s30 =	sshll.u32 s10, $0xC;
	s12 =	sshrl.u32 s9, $0x1;
	s31 =	sshll.u32 s10, $0x6  }
0xe: {  	s10 =	sshll.u32 s10, $0xA;
	s13 =	sadd.s32 s30, s6;
	s9 =	ssub.s32 s9, s12  }
0xf: {  	s4 =	sadd.s32 s4, s31;
	s5 =	sadd.s32 s5, s31;
	s6 =	sadd.s32 s7, s30  }
0x10: {  	s8 =	sadd.s32 s8, s10;
	s10 =	simm.s32 $0x3;
	s12 =	simm.s32 $0x400  }
0x11: {  	s7 =	sadd.s32 $0x98A000, s13;
	s9 =	smax.u32 s9, $0x1;
	s13 =	simm.s32 $0x2400  }
.LBB2_1:
0x12: {  	[tilespmem:s2], [sflag:$0x3] =	stream.linear.gather [hbm4b:s4+s2], $0x200, $0x38;
	[tilespmem:$0x12400] =	vst v63  }
0x13: {  	_ =	swait.ge [sflag:s10], $0x200  }
0x14: {  	[sflag:s10] =	ssyncset.done $0x0  }
0x15: {  	s21 =	simm.s32 $0x200;
	[sflag:s10] =	ssyncadd.s32 $0xFFFFFE00  }
0x16: {  	[tilespmem:s21], [sflag:$0x3] =	stream.linear.gather [hbm4b:s5+s2], $0x200, $0x38;
	[tilespmem:$0x12400] =	vst v63  }
0x17: {  	_ =	swait.ge [sflag:s10], $0x200  }
0x18: {  	[sflag:s10] =	ssyncset.done $0x0  }
0x19: {  	[sflag:s10] =	ssyncadd.s32 $0xFFFFFE00  }
0x1a: {  	[tilespmem:s12], [sflag:$0x1] =	stream.indirect.gather [hbm4b:s3+s11], $0x40, s2, s11, $0xb8;
	[tilespmem:$0x12400] =	vst v63  }
0x1b: {  	_ = 	snop  }
0x1c: {  	[tilespmem:s13], [sflag:$0x1] =	stream.indirect.gather [hbm4b:s3+s11], $0x40, s11, s11, $0xb8;
	[tilespmem:$0x12400] =	vst v63  }
0x1d: {  	_ = 	snop  }
0x1e: {  	[tilespmem:s15], [sflag:$0x1] =	stream.indirect.gather [hbm4b:s3+s11], $0x40, s14, s11, $0xb8;
	[tilespmem:$0x12400] =	vst v63  }
0x1f: {  	_ = 	snop  }
0x20: {  	[tilespmem:s17], [sflag:$0x1] =	stream.indirect.gather [hbm4b:s3+s11], $0x40, s16, s11, $0xb8;
	[tilespmem:$0x12400] =	vst v63  }
0x21: {  	v0 =	vld [tilespmem:s21+$0x0];
	_ =	sdelay $0x4  }
0x22: {  	v0 =	vmul.u32 $0x50, v0;
	_ =	sdelay $0x1  }
0x23: {  	s25 =	rddreg [dreg:$0x6];
	v0 =	vshrl.u32 v0, $0x3  }
0x24: {  	v0 =	vadd.s32 s25, v0  }
0x25: {  	(v2sf) =	vpush v0, $0x0;
	_ =	sdelay $0x1  }
0x26: {  	(v2sf) =	vpush v0, $0x1;
	_ =	sdelay $0x1  }
0x27: {  	(v2sf) =	vpush v0, $0x2;
	_ =	sdelay $0x1  }
0x28: {  	(v2sf) =	vpush v0, $0x3;
	_ =	sdelay $0x1  }
0x29: {  	(v2sf) =	vpush v0, $0x4;
	_ =	sdelay $0x1  }
0x2a: {  	(v2sf) =	vpush v0, $0x5;
	_ =	sdelay $0x1  }
0x2b: {  	(v2sf) =	vpush v0, $0x6;
	_ =	sdelay $0x1  }
0x2c: {  	(v2sf) =	vpush v0, $0x7  }
0x2d: {  	s26 =	simm.s32 $0x8400;
	s22 =	spop (v2sf)  }
0x2e: {  	(v2sf) =	vpush v0, $0x8;
	[tilespmem:s26], [sflag:$0x2] =	stream.linear.gather [hbm4b:s22+s2], $0x50, $0x38;
	[tilespmem:$0x12400] =	vst v63  }
0x2f: {  	s28 =	simm.s32 $0x8450;
	s29 =	spop (v2sf);
	(v2sf) =	vpush v0, $0x9  }
0x30: {  	[tilespmem:s28], [sflag:$0x2] =	stream.linear.gather [hbm4b:s29+s2], $0x50, $0x38;
	[tilespmem:$0x12400] =	vst v63  }
0x31: {  	s30 =	simm.s32 $0x84A0;
	s31 =	spop (v2sf);
	(v2sf) =	vpush v0, $0xA  }
0x32: {  	[tilespmem:s30], [sflag:$0x2] =	stream.linear.gather [hbm4b:s31+s2], $0x50, $0x38;
	[tilespmem:$0x12400] =	vst v63  }
0x33: {  	s23 =	simm.s32 $0x84F0;
	s24 =	spop (v2sf);
	(v2sf) =	vpush v0, $0xB  }
0x34: {  	[tilespmem:s23], [sflag:$0x2] =	stream.linear.gather [hbm4b:s24+s2], $0x50, $0x38;
	[tilespmem:$0x12400] =	vst v63  }
0x35: {  	s25 =	simm.s32 $0x8540;
	s26 =	spop (v2sf);
	(v2sf) =	vpush v0, $0xC  }
0x36: {  	[tilespmem:s25], [sflag:$0x2] =	stream.linear.gather [hbm4b:s26+s2], $0x50, $0x38;
	[tilespmem:$0x12400] =	vst v63  }
0x37: {  	s28 =	simm.s32 $0x8590;
	s29 =	spop (v2sf);
	(v2sf) =	vpush v0, $0xD  }
0x38: {  	[tilespmem:s28], [sflag:$0x2] =	stream.linear.gather [hbm4b:s29+s2], $0x50, $0x38;
	[tilespmem:$0x12400] =	vst v63  }
0x39: {  	s30 =	simm.s32 $0x85E0;
	s31 =	spop (v2sf);
	(v2sf) =	vpush v0, $0xE  }
0x3a: {  	[tilespmem:s30], [sflag:$0x2] =	stream.linear.gather [hbm4b:s31+s2], $0x50, $0x38;
	[tilespmem:$0x12400] =	vst v63  }
0x3b: {  	s23 =	simm.s32 $0x8630;
	s24 =	spop (v2sf);
	(v2sf) =	vpush v0, $0xF  }
0x3c: {  	[tilespmem:s23], [sflag:$0x2] =	stream.linear.gather [hbm4b:s24+s2], $0x50, $0x38;
	[tilespmem:$0x12400] =	vst v63  }
0x3d: {  	s26 =	spop (v2sf)  }
0x3e: {  	s25 =	simm.s32 $0x8680;
	s29 =	spop (v2sf)  }
0x3f: {  	[tilespmem:s25], [sflag:$0x2] =	stream.linear.gather [hbm4b:s26+s2], $0x50, $0x38;
	[tilespmem:$0x12400] =	vst v63  }
0x40: {  	s28 =	simm.s32 $0x86D0;
	s31 =	spop (v2sf)  }
0x41: {  	[tilespmem:s28], [sflag:$0x2] =	stream.linear.gather [hbm4b:s29+s2], $0x50, $0x38;
	[tilespmem:$0x12400] =	vst v63  }
0x42: {  	s30 =	simm.s32 $0x8720;
	s24 =	spop (v2sf)  }
0x43: {  	[tilespmem:s30], [sflag:$0x2] =	stream.linear.gather [hbm4b:s31+s2], $0x50, $0x38;
	[tilespmem:$0x12400] =	vst v63  }
0x44: {  	s23 =	simm.s32 $0x8770;
	s26 =	spop (v2sf)  }
0x45: {  	[tilespmem:s23], [sflag:$0x2] =	stream.linear.gather [hbm4b:s24+s2], $0x50, $0x38;
	[tilespmem:$0x12400] =	vst v63  }
0x46: {  	s21 =	simm.s32 $0x1400;
	s25 =	simm.s32 $0x87C0;
	s29 =	spop (v2sf)  }
0x47: {  	[tilespmem:s25], [sflag:$0x2] =	stream.linear.gather [hbm4b:s26+s2], $0x50, $0x38;
	[tilespmem:$0x12400] =	vst v63  }
0x48: {  	s22 =	simm.s32 $0x210;
	s28 =	simm.s32 $0x8810;
	s31 =	spop (v2sf)  }
0x49: {  	[tilespmem:s28], [sflag:$0x2] =	stream.linear.gather [hbm4b:s29+s2], $0x50, $0x38;
	[tilespmem:$0x12400] =	vst v63  }
0x4a: {  	s30 =	simm.s32 $0x8860;
	s23 =	simm.s32 $0x88B0;
	s24 =	spop (v2sf)  }
0x4b: {  	[tilespmem:s30], [sflag:$0x2] =	stream.linear.gather [hbm4b:s31+s2], $0x50, $0x38;
	[tilespmem:$0x12400] =	vst v63  }
.LBB2_2:
0x4c: {  	[tilespmem:s23], [sflag:$0x2] =	stream.linear.gather [hbm4b:s24+s2], $0x50, $0x38;
	[tilespmem:$0x12400] =	vst v63  }
0x4d: {  	v0 =	vld [tilespmem:s22+$0x0];
	_ =	sdelay $0x4  }
0x4e: {  	v0 =	vmul.u32 $0x50, v0;
	_ =	sdelay $0x1  }
0x4f: {  	s25 =	rddreg [dreg:$0x6];
	v0 =	vshrl.u32 v0, $0x3  }
0x50: {  	v0 =	vadd.s32 s25, v0  }
0x51: {  	(v2sf) =	vpush v0, $0x0;
	_ =	sdelay $0x1  }
0x52: {  	(v2sf) =	vpush v0, $0x1;
	_ =	sdelay $0x1  }
0x53: {  	(v2sf) =	vpush v0, $0x2;
	_ =	sdelay $0x1  }
0x54: {  	(v2sf) =	vpush v0, $0x3;
	_ =	sdelay $0x1  }
0x55: {  	(v2sf) =	vpush v0, $0x4;
	_ =	sdelay $0x1  }
0x56: {  	(v2sf) =	vpush v0, $0x5;
	_ =	sdelay $0x1  }
0x57: {  	(v2sf) =	vpush v0, $0x6  }
0x58: {  	s31 =	smov.u32 s21  }
0x59: {  	s23 =	sshra.s32 s31, $0x2;
	(v2sf) =	vpush v0, $0x7  }
0x5a: {  	s26 =	sadd.s32 $0x8400, s23;
	s25 =	spop (v2sf)  }
0x5b: {  	(v2sf) =	vpush v0, $0x8;
	[tilespmem:s26], [sflag:$0x2] =	stream.linear.gather [hbm4b:s25+s2], $0x50, $0x38;
	[tilespmem:$0x12400] =	vst v63  }
0x5c: {  	s28 =	sadd.s32 $0x8450, s23;
	s29 =	spop (v2sf)  }
0x5d: {  	(v2sf) =	vpush v0, $0x9;
	[tilespmem:s28], [sflag:$0x2] =	stream.linear.gather [hbm4b:s29+s2], $0x50, $0x38;
	[tilespmem:$0x12400] =	vst v63  }
0x5e: {  	s30 =	sadd.s32 $0x84A0, s23;
	s31 =	spop (v2sf)  }
0x5f: {  	(v2sf) =	vpush v0, $0xA;
	[tilespmem:s30], [sflag:$0x2] =	stream.linear.gather [hbm4b:s31+s2], $0x50, $0x38;
	[tilespmem:$0x12400] =	vst v63  }
0x60: {  	s25 =	sadd.s32 $0x84F0, s23;
	s26 =	spop (v2sf)  }
0x61: {  	(v2sf) =	vpush v0, $0xB;
	[tilespmem:s25], [sflag:$0x2] =	stream.linear.gather [hbm4b:s26+s2], $0x50, $0x38;
	[tilespmem:$0x12400] =	vst v63  }
0x62: {  	s28 =	sadd.s32 $0x8540, s23;
	s29 =	spop (v2sf)  }
0x63: {  	(v2sf) =	vpush v0, $0xC;
	[tilespmem:s28], [sflag:$0x2] =	stream.linear.gather [hbm4b:s29+s2], $0x50, $0x38;
	[tilespmem:$0x12400] =	vst v63  }
0x64: {  	s30 =	sadd.s32 $0x8590, s23;
	s31 =	spop (v2sf)  }
0x65: {  	(v2sf) =	vpush v0, $0xD;
	[tilespmem:s30], [sflag:$0x2] =	stream.linear.gather [hbm4b:s31+s2], $0x50, $0x38;
	[tilespmem:$0x12400] =	vst v63  }
0x66: {  	s25 =	sadd.s32 $0x85E0, s23;
	s26 =	spop (v2sf);
	(v2sf) =	vpush v0, $0xE  }
0x67: {  	[tilespmem:s25], [sflag:$0x2] =	stream.linear.gather [hbm4b:s26+s2], $0x50, $0x38;
	[tilespmem:$0x12400] =	vst v63  }
0x68: {  	s28 =	sadd.s32 $0x8630, s23;
	s29 =	spop (v2sf);
	(v2sf) =	vpush v0, $0xF  }
0x69: {  	[tilespmem:s28], [sflag:$0x2] =	stream.linear.gather [hbm4b:s29+s2], $0x50, $0x38;
	[tilespmem:$0x12400] =	vst v63  }
0x6a: {  	s30 =	sadd.s32 $0x8680, s23;
	s31 =	spop (v2sf)  }
0x6b: {  	[tilespmem:s30], [sflag:$0x2] =	stream.linear.gather [hbm4b:s31+s2], $0x50, $0x38;
	[tilespmem:$0x12400] =	vst v63  }
0x6c: {  	s25 =	sadd.s32 $0x86D0, s23;
	s26 =	spop (v2sf)  }
0x6d: {  	[tilespmem:s25], [sflag:$0x2] =	stream.linear.gather [hbm4b:s26+s2], $0x50, $0x38;
	[tilespmem:$0x12400] =	vst v63  }
0x6e: {  	s28 =	sadd.s32 $0x8720, s23;
	s29 =	spop (v2sf)  }
0x6f: {  	[tilespmem:s28], [sflag:$0x2] =	stream.linear.gather [hbm4b:s29+s2], $0x50, $0x38;
	[tilespmem:$0x12400] =	vst v63  }
0x70: {  	s30 =	sadd.s32 $0x8770, s23;
	s31 =	spop (v2sf)  }
0x71: {  	[tilespmem:s30], [sflag:$0x2] =	stream.linear.gather [hbm4b:s31+s2], $0x50, $0x38;
	[tilespmem:$0x12400] =	vst v63  }
0x72: {  	p0 =	sne.s32 s21, $0x26C00;
	s25 =	sadd.s32 $0x87C0, s23;
	s26 =	spop (v2sf)  }
0x73: {  	[tilespmem:s25], [sflag:$0x2] =	stream.linear.gather [hbm4b:s26+s2], $0x50, $0x38;
	[tilespmem:$0x12400] =	vst v63  }
.Ltmp0:
0x74: {  	s21 =	sadd.s32 $0x1400, s21;
	s29 =	spop (v2sf);
	(pc) =	sbr.rel @p0 .LBB2_2-.Ltmp0, $4  }
0x75: {  	s22 =	sadd.s32 $0x10, s22;
	s28 =	sadd.s32 $0x8810, s23;
	s31 =	spop (v2sf)  }
0x76: {  	[tilespmem:s28], [sflag:$0x2] =	stream.linear.gather [hbm4b:s29+s2], $0x50, $0x38;
	[tilespmem:$0x12400] =	vst v63  }
0x77: {  	s30 =	sadd.s32 $0x8860, s23;
	s23 =	sadd.s32 $0x88B0, s23;
	s24 =	spop (v2sf)  }
0x78: {  	[tilespmem:s30], [sflag:$0x2] =	stream.linear.gather [hbm4b:s31+s2], $0x50, $0x38;
	[tilespmem:$0x12400] =	vst v63  }
0x79: {  	[tilespmem:s23], [sflag:$0x2] =	stream.linear.gather [hbm4b:s24+s2], $0x50, $0x38;
	[tilespmem:$0x12400] =	vst v63  }
0x7a: {  	_ =	swait.ge [sflag:s18], $0xA000  }
0x7b: {  	[sflag:s18] =	ssyncset.done $0x0  }
0x7c: {  	[sflag:s18] =	ssyncadd.s32 $0xFFFF6000  }
0x7d: {  	_ =	swait.ge [sflag:s19], $0x2000  }
0x7e: {  	[sflag:s19] =	ssyncset.done $0x0  }
0x7f: {  	[sflag:s19] =	ssyncadd.s32 $0xFFFFE000  }
0x80: {  	_ =	swait.ge [sflag:s19], $0x2000  }
0x81: {  	[sflag:s19] =	ssyncset.done $0x0  }
0x82: {  	[sflag:s19] =	ssyncadd.s32 $0xFFFFE000  }
0x83: {  	_ =	swait.ge [sflag:s19], $0x2000  }
0x84: {  	[sflag:s19] =	ssyncset.done $0x0  }
0x85: {  	[sflag:s19] =	ssyncadd.s32 $0xFFFFE000  }
0x86: {  	_ =	swait.ge [sflag:s19], $0x2000  }
0x87: {  	[sflag:s19] =	ssyncset.done $0x0  }
0x88: {  	s21 =	simm.s32 $0x0;
	[sflag:s19] =	ssyncadd.s32 $0xFFFFE000  }
0x89: {  	[hbm4b:s6+s21] =	stream.linear.scatter [tilespmem:s12], [sflag:$0x3], $0x8000, $0x38;
	[tilespmem:$0x12400] =	vst v63  }
0x8a: {  	_ =	swait.ge [sflag:s10], $0x8000  }
0x8b: {  	s22 =	simm.s32 $0x8;
	s24 =	sadd.s32 $0x0, s7;
	[sflag:s10] =	ssyncset.done $0x0  }
0x8c: {  	s23 =	simm.s32 $0x8450;
	s21 =	simm.s32 $0x8400;
	[sflag:s10] =	ssyncadd.s32 $0xFFFF8000  }
.LBB2_4:
0x8d: {  	[hbm4b:s24+s2] =	stream.linear.scatter [tilespmem:s21], [sflag:$0x3], $0x40, $0x38;
	[tilespmem:$0x12400] =	vst v63  }
0x8e: {  	s24 =	smov.u32 s22;
	s21 =	smov.u32 s23;
	p0 =	sne.s32 s22, $0xFF8  }
.Ltmp1:
0x8f: {  	s22 =	sadd.s32 $0x8, s22;
	(pc) =	sbr.rel @p0 .LBB2_4-.Ltmp1, $2  }
0x90: {  	_ =	sdelay $0x2  }
0x91: {  	s23 =	sadd.s32 $0x50, s23;
	s24 =	sadd.s32 s24, s7  }
0x92: {  	[hbm4b:s24+s2] =	stream.linear.scatter [tilespmem:s21], [sflag:$0x3], $0x40, $0x38;
	[tilespmem:$0x12400] =	vst v63  }
0x93: {  	_ =	swait.ge [sflag:s10], $0x8000  }
0x94: {  	s21 =	simm.s32 $0x8440;
	s22 =	simm.s32 $0x2;
	[sflag:s10] =	ssyncset.done $0x0  }
0x95: {  	s24 =	sadd.s32 $0x0, s8;
	s23 =	simm.s32 $0x8490;
	[sflag:s10] =	ssyncadd.s32 $0xFFFF8000  }
.LBB2_6:
0x96: {  	[hbm4b:s24+s2] =	stream.linear.scatter [tilespmem:s21], [sflag:$0x3], $0x10, $0x38;
	[tilespmem:$0x12400] =	vst v63  }
0x97: {  	s24 =	smov.u32 s22;
	s21 =	smov.u32 s23;
	p0 =	sne.s32 s22, $0x3FE  }
.Ltmp2:
0x98: {  	s22 =	sadd.s32 $0x2, s22;
	(pc) =	sbr.rel @p0 .LBB2_6-.Ltmp2, $2  }
0x99: {  	_ =	sdelay $0x2  }
0x9a: {  	s23 =	sadd.s32 $0x50, s23;
	s24 =	sadd.s32 s24, s8  }
0x9b: {  	s20 =	sadd.s32 $0x1, s20  }
0x9c: {  	p0 =	sne.s32 s20, s9  }
.Ltmp3:
0x9d: {  	_ = 	snop;
	(pc) =	sbr.rel @p0 .LBB2_1-.Ltmp3, $4  }
0x9e: {  	[hbm4b:s24+s2] =	stream.linear.scatter [tilespmem:s21], [sflag:$0x3], $0x10, $0x38;
	[tilespmem:$0x12400] =	vst v63  }
0x9f: {  	_ =	swait.ge [sflag:s10], $0x2000  }
0xa0: {  	[sflag:s10] =	ssyncset.done $0x0  }
0xa1: {  	[sflag:s10] =	ssyncadd.s32 $0xFFFFE000  }
0xa2: {  	_ =	sfence.sel $0x180000  }
0xa3: {  	[bflag:$0x0] =	sbarrier.arrive $0xFFFF  }
0xa4: {  	p0 =	sne.s32 s1, $0x0;
	_ =	strace $0x90000047  }
0xa5: {  	s0 =	sadd.s32 @!p0 $0x100000, s0;
	[bflag:$0x2] =	sbarrier.arrive $0xFFFF  }
0xa6: {  	[sflag:s0] =	ssyncadd.tile.s32 @!p0 $0x1;
	_ =	shalt  }
.Lfunc_end2:
_tile_overlayer_lowered:
.L_overlay_start_2:
0xa7: {  	(tag) =	ssettag $0x2  }
0xa8: {  	s0 =	rddreg [dreg:$0x0];
	s2 =	stileid.u32  }
0xa9: {  	s1 =	rddreg [dreg:$0x1];
	p0 =	sne.s32 s2, $0x0  }
0xaa: {  	s3 =	rddreg [dreg:$0x2];
	[bflag:$0x3] =	sbarrier.arrive $0xFFFF;
	s2 =	simm.s32 @!p0 $0x1C03  }
0xab: {  	[timem:s3], [sflag:s2] =	dma.local @!p0 [hbm:s0], s1  }
0xac: {  	s0 =	simm.s32 @!p0 $0x3  }
0xad: {  	_ =	swait.ge @!p0 [sflag:s0], s1  }
0xae: {  	s1 =	ssub.s32 @!p0 $0x0, s1;
	[sflag:s0] =	ssyncset.done @!p0 $0x0  }
0xaf: {  	[sflag:s0] =	ssyncadd.s32 @!p0 s1  }
0xb0: {  	[bflag:$0x3] =	sbarrier.arrive $0xFFFF  }
0xb1: {  	_ =	shalt  }

</sc_bundles>
